<compile_context>
chip_gen: v7x
topology: tpu7x:2x2x1
jax: 0.10.2.dev20260603
libtpu: 0.0.44.dev20260713+nightly
codegen_flags: <defaults>
</compile_context>

<pallas_src>
import jax
import jax.numpy as jnp
from jax import lax
from jax.experimental import pallas as pl
from jax.experimental.pallas import tpu as pltpu
from jax.experimental.pallas import tpu_sc as plsc

_B = 4096
_L = 200
_D = 50
_DP = 64
_W32 = _DP // 2
_OUT = 20
_V = 100000

_NC = 2
_NS = 16
_NW = _NC * _NS
_SPT = _B // _NW

_CH = 64
_NCH = (_L + _CH - 1) // _CH
_LP = _NCH * _CH

_ROWS_BLK = 200
_PACK_GRID = (_V // 4) // _ROWS_BLK

_HI = 0xFFFF0000 - (1 << 32)


def _rne(b):
    lsb = lax.bitwise_and(lax.shift_right_logical(b, 16), jnp.int32(1))
    return lax.add(b, lax.add(jnp.int32(0x7FFF), lsb))


def _pack_words(y):
    y = jnp.pad(y, ((0, 0), (0, _DP - _D)))
    bits = lax.bitcast_convert_type(y, jnp.int32)
    lo = _rne(bits[:, :_W32])
    hi = _rne(bits[:, _W32:])
    return lax.bitwise_or(lax.bitwise_and(hi, jnp.int32(_HI)),
                          lax.shift_right_logical(lo, 16))


def _pack_body(t0, t1, t2, t3, o_ref):
    for q, t in enumerate((t0, t1, t2, t3)):
        o_ref[:, q * _W32:(q + 1) * _W32] = _pack_words(t[...])


def _pack(table):
    qb = (_V // 4) // _ROWS_BLK
    return pl.pallas_call(
        _pack_body,
        grid=(_PACK_GRID,),
        in_specs=[pl.BlockSpec((_ROWS_BLK, _D),
                               lambda i, q=q: (i + q * qb, 0))
                  for q in range(4)],
        out_specs=pl.BlockSpec((_ROWS_BLK, 128), lambda i: (i, 0)),
        out_shape=jax.ShapeDtypeStruct((_V // 4, 128), jnp.int32),
    )(table, table, table, table)


def _embed_sums(x, lengths, packed):
    mesh = plsc.VectorSubcoreMesh(core_axis_name="c", subcore_axis_name="s")

    def body(x_hbm, len_hbm, tbl, sums_hbm, xv, lv, acc, buf0, buf1,
             sem0, sem1):
        wid = lax.axis_index("s") * _NC + lax.axis_index("c")
        base = wid * _SPT
        pltpu.sync_copy(x_hbm.at[pl.ds(base, _SPT)], xv)
        pltpu.sync_copy(len_hbm.at[pl.ds(base, _SPT)], lv.at[pl.ds(0, _SPT)])

        def nchunks(s):
            n = lv[pl.ds(s, 16)][0]
            return (n + (_CH - 1)) // _CH

        def fire(s, buf, sem):
            m = nchunks(s)

            @pl.loop(0, m)
            def _(c):
                pltpu.async_copy(
                    tbl.at[xv.at[s, pl.ds(c * _CH, _CH)]],
                    buf.at[pl.ds(c * _CH, _CH)], sem)

        def drain(s, buf, sem):
            m = nchunks(s)

            @pl.loop(0, m)
            def _(c):
                pltpu.make_async_copy(
                    tbl.at[xv.at[s, pl.ds(c * _CH, _CH)]],
                    buf.at[pl.ds(c * _CH, _CH)], sem).wait()

        def halves(buf, j, col):
            w = buf[j, pl.ds(col, 16)]
            lo = plsc.bitcast(lax.shift_left(w, 16), jnp.float32)
            hi = plsc.bitcast(lax.bitwise_and(w, jnp.int32(_HI)), jnp.float32)
            return lo, hi

        def process(s, buf):
            n = lv[pl.ds(s, 16)][0]
            z = jnp.zeros((16,), jnp.float32)
            n2 = (n // 2) * 2

            def add_row(j, a0, a1, a2, a3):
                lo0, hi0 = halves(buf, j, 0)
                lo1, hi1 = halves(buf, j, 16)
                return a0 + lo0, a1 + lo1, a2 + hi0, a3 + hi1

            def accum2(j, carry):
                a0, a1, a2, a3, b0, b1, b2, b3 = carry
                a0, a1, a2, a3 = add_row(j, a0, a1, a2, a3)
                b0, b1, b2, b3 = add_row(j + 1, b0, b1, b2, b3)
                return a0, a1, a2, a3, b0, b1, b2, b3

            def accum1(j, carry):
                a0, a1, a2, a3, b0, b1, b2, b3 = carry
                a0, a1, a2, a3 = add_row(j, a0, a1, a2, a3)
                return a0, a1, a2, a3, b0, b1, b2, b3

            carry = (z, z, z, z, z, z, z, z)
            carry = pl.loop(0, n2, step=2, init_carry=carry)(accum2)
            carry = pl.loop(n2, n, init_carry=carry)(accum1)
            a0, a1, a2, a3, b0, b1, b2, b3 = carry
            acc[s, pl.ds(0, 16)] = a0 + b0
            acc[s, pl.ds(16, 16)] = a1 + b1
            acc[s, pl.ds(32, 16)] = a2 + b2
            acc[s, pl.ds(48, 16)] = a3 + b3

        fire(0, buf0, sem0)

        @pl.loop(0, _SPT, step=2)
        def _(s0):
            fire(s0 + 1, buf1, sem1)
            drain(s0, buf0, sem0)
            process(s0, buf0)
            s2 = jnp.where(s0 + 2 >= _SPT, 0, s0 + 2)
            fire(s2, buf0, sem0)
            drain(s0 + 1, buf1, sem1)
            process(s0 + 1, buf1)

        drain(0, buf0, sem0)
        pltpu.sync_copy(acc, sums_hbm.at[pl.ds(base, _SPT)])

    run = pl.kernel(
        body,
        out_type=jax.ShapeDtypeStruct((_B, _DP), jnp.float32),
        mesh=mesh,
        scratch_types=[
            pltpu.VMEM((_SPT, _L), jnp.int32),
            pltpu.VMEM((_SPT + 16,), jnp.int32),
            pltpu.VMEM((_SPT, _DP), jnp.float32),
            pltpu.VMEM((_LP, _W32), jnp.int32),
            pltpu.VMEM((_LP, _W32), jnp.int32),
            pltpu.SemaphoreType.DMA,
            pltpu.SemaphoreType.DMA,
        ],
        compiler_params=pltpu.CompilerParams(use_tc_tiling_on_sc=False,
                                             needs_layout_passes=False),
    )
    return run(x, lengths, packed)


def _head_body(sums_ref, len_ref, w_ref, b_ref, out_ref):
    s = sums_ref[:, :_D]
    l = len_ref[...].astype(jnp.float32)
    rep = jnp.maximum(s / l, 0.0)
    out_ref[...] = lax.dot_general(
        rep, w_ref[...], (((1,), (1,)), ((), ())),
        preferred_element_type=jnp.float32) + b_ref[...]


def _head(sums, lengths, W, b):
    return pl.pallas_call(
        _head_body,
        out_shape=jax.ShapeDtypeStruct((_B, _OUT), jnp.float32),
    )(sums, lengths, W, b)


def kernel(x, lengths, table, W, b):
    xi = x.astype(jnp.int32)
    xi = 4 * (xi % (_V // 4)) + xi // (_V // 4)
    li = lengths.astype(jnp.int32)
    packed = _pack(table).reshape(_V, _W32)
    sums = _embed_sums(xi, li, packed)
    return _head(sums, li.reshape(_B, 1), W, b.reshape(1, _OUT))

# --- scband reference (transcript-rebuilt; emitter-appended) ---
"""Pipeline reference for scband-baseline-dnn-42588895707994 (READ-ONLY COPY).

The authoritative reference and input builder live on the scoring server;
editing this copy changes nothing except your own understanding.
"""

import jax, jax.numpy as jnp
import numpy as np

VOCAB = 100000
DIM = 50
B = 4096
L = 200
OUT = 20


def setup_inputs(seed: int = 0) -> dict:
    key = jax.random.key(seed)
    k1, k2, k3, k4 = jax.random.split(key, 4)
    x = jax.random.randint(k1, (B, L), 0, VOCAB)
    lengths = jnp.clip(jax.random.randint(k2, (B,), 0, L), 1, L)
    table = jax.random.normal(k3, (VOCAB, DIM), dtype=jnp.float32) * 0.02
    W = jax.random.normal(k4, (OUT, DIM), dtype=jnp.float32) * 0.05
    b = jnp.zeros((OUT,), dtype=jnp.float32)
    return {"x": x, "lengths": lengths, "table": table, "W": W, "b": b}


def reference(x, lengths, table, W, b):
    # embedding lookup (gather)
    emb = jnp.take(table, x, axis=0)  # [B, L, D]
    # mean over the first lengths[i] tokens of each sample
    mask = (jnp.arange(L)[None, :] < lengths[:, None]).astype(emb.dtype)  # [B, L]
    summed = jnp.einsum('bld,bl->bd', emb, mask)  # [B, D]
    rep = summed / lengths[:, None].astype(emb.dtype)
    rep = jax.nn.relu(rep)
    logits = rep @ W.T + b
    return logits

if __name__ == "__main__":
    import jax
    _d = setup_inputs()
    print(jax.jit(kernel)(*tuple(_d.values())))

</pallas_src>

<mosaic_0001>
#map = affine_map<(d0, d1) -> (0, 0)>
#map1 = affine_map<(d0, d1) -> (0)>
module attributes {stable_mosaic.version = 14 : i64} {
  func.func @body(%arg0: i32, %arg1: i32, %arg2: memref<4096x200xi32, #tpu.memory_space<hbm>>, %arg3: memref<4096xi32, #tpu.memory_space<hbm>>, %arg4: memref<100000x32xi32, #tpu.memory_space<hbm>>, %arg5: memref<4096x64xf32, #tpu.memory_space<hbm>>, %arg6: memref<128x200xi32, #tpu.memory_space<vmem>>, %arg7: memref<144xi32, #tpu.memory_space<vmem>>, %arg8: memref<128x64xf32, #tpu.memory_space<vmem>>, %arg9: memref<256x32xi32, #tpu.memory_space<vmem>>, %arg10: memref<256x32xi32, #tpu.memory_space<vmem>>, %arg11: memref<!tpu.dma_semaphore, #tpu.memory_space<semaphore_mem>>, %arg12: memref<!tpu.dma_semaphore, #tpu.memory_space<semaphore_mem>>) attributes {dimension_semantics = [#tpu.dimension_semantics<core_parallel>, #tpu.dimension_semantics<subcore_parallel>], iteration_bounds = array<i64: 2, 16>, scalar_prefetch = 0 : i64, scratch_operands = 7 : i64, tpu.core_type = #tpu.core_type<sc_vector_subcore>, window_params = [{transform_indices = #map}, {transform_indices = #map1}, {transform_indices = #map}, {transform_indices = #map}]} {
    %mul3A = arith.constant 2 : i32
    %mul3A_0 = arith.muli %arg1, %mul3A : i32
    %add3A = arith.addi %mul3A_0, %arg0 : i32
    %mul3A_1 = arith.constant 128 : i32
    %mul3A_2 = arith.muli %add3A, %mul3A_1 : i32
    "tpu.region"() ({
      %run_scoped3A = tpu.sem_alloc : memref<!tpu.dma_semaphore, #tpu.memory_space<semaphore_mem>>
      %dma_start3A = arith.constant 0 : i32
      %dma_start3A_93 = tpu.memref_slice %arg2[%mul3A_2, %dma_start3A] : memref<4096x200xi32, #tpu.memory_space<hbm>> -> memref<128x200xi32, #tpu.memory_space<hbm>>
      %dma_start3A_94 = arith.constant 0 : i32
      %dma_start3A_95 = tpu.memref_slice %arg2[%mul3A_2, %dma_start3A_94] : memref<4096x200xi32, #tpu.memory_space<hbm>> -> memref<128x200xi32, #tpu.memory_space<hbm>>
      tpu.enqueue_dma source(%dma_start3A_95 : memref<128x200xi32, #tpu.memory_space<hbm>>) target(%arg6 : memref<128x200xi32, #tpu.memory_space<vmem>>) target_semaphore(%run_scoped3A : memref<!tpu.dma_semaphore, #tpu.memory_space<semaphore_mem>>)
      %dma_wait3A = arith.constant 0 : i32
      %dma_wait3A_96 = tpu.memref_slice %arg2[%mul3A_2, %dma_wait3A] : memref<4096x200xi32, #tpu.memory_space<hbm>> -> memref<128x200xi32, #tpu.memory_space<hbm>>
      %dma_wait3A_97 = arith.constant 0 : i32
      %dma_wait3A_98 = tpu.memref_slice %arg2[%mul3A_2, %dma_wait3A_97] : memref<4096x200xi32, #tpu.memory_space<hbm>> -> memref<128x200xi32, #tpu.memory_space<hbm>>
      tpu.wait_dma2 semaphore(%run_scoped3A : memref<!tpu.dma_semaphore, #tpu.memory_space<semaphore_mem>>) src(%dma_wait3A_98 : memref<128x200xi32, #tpu.memory_space<hbm>>) dst(%arg6 : memref<128x200xi32, #tpu.memory_space<vmem>>)
      tpu.yield
    }) : () -> ()
    "tpu.region"() ({
      %run_scoped3A = tpu.sem_alloc : memref<!tpu.dma_semaphore, #tpu.memory_space<semaphore_mem>>
      %dma_start3A = arith.constant 0 : i32
      %dma_start3A_93 = tpu.memref_slice %arg7[%dma_start3A] : memref<144xi32, #tpu.memory_space<vmem>> -> memref<128xi32, #tpu.memory_space<vmem>>
      %dma_start3A_94 = tpu.memref_slice %arg3[%mul3A_2] : memref<4096xi32, #tpu.memory_space<hbm>> -> memref<128xi32, #tpu.memory_space<hbm>>
      %dma_start3A_95 = arith.constant 0 : i32
      %dma_start3A_96 = tpu.memref_slice %arg7[%dma_start3A_95] : memref<144xi32, #tpu.memory_space<vmem>> -> memref<128xi32, #tpu.memory_space<vmem>>
      %dma_start3A_97 = tpu.memref_slice %arg3[%mul3A_2] : memref<4096xi32, #tpu.memory_space<hbm>> -> memref<128xi32, #tpu.memory_space<hbm>>
      tpu.enqueue_dma source(%dma_start3A_97 : memref<128xi32, #tpu.memory_space<hbm>>) target(%dma_start3A_96 : memref<128xi32, #tpu.memory_space<vmem>>) target_semaphore(%run_scoped3A : memref<!tpu.dma_semaphore, #tpu.memory_space<semaphore_mem>>)
      %dma_wait3A = arith.constant 0 : i32
      %dma_wait3A_98 = tpu.memref_slice %arg7[%dma_wait3A] : memref<144xi32, #tpu.memory_space<vmem>> -> memref<128xi32, #tpu.memory_space<vmem>>
      %dma_wait3A_99 = tpu.memref_slice %arg3[%mul3A_2] : memref<4096xi32, #tpu.memory_space<hbm>> -> memref<128xi32, #tpu.memory_space<hbm>>
      %dma_wait3A_100 = arith.constant 0 : i32
      %dma_wait3A_101 = tpu.memref_slice %arg7[%dma_wait3A_100] : memref<144xi32, #tpu.memory_space<vmem>> -> memref<128xi32, #tpu.memory_space<vmem>>
      %dma_wait3A_102 = tpu.memref_slice %arg3[%mul3A_2] : memref<4096xi32, #tpu.memory_space<hbm>> -> memref<128xi32, #tpu.memory_space<hbm>>
      tpu.wait_dma2 semaphore(%run_scoped3A : memref<!tpu.dma_semaphore, #tpu.memory_space<semaphore_mem>>) src(%dma_wait3A_102 : memref<128xi32, #tpu.memory_space<hbm>>) dst(%dma_wait3A_101 : memref<128xi32, #tpu.memory_space<vmem>>)
      tpu.yield
    }) : () -> ()
    %get3A = arith.constant 0 : index
    %get3A_3 = tpu.vector_load %arg7[%get3A] {strides = array<i32>} : memref<144xi32, #tpu.memory_space<vmem>>, vector<16xi32>,
    %slice3A = vector.extract_strided_slice %get3A_3 {offsets = [0], sizes = [1], strides = [1]} : vector<16xi32> to vector<1xi32>
    %squeeze3A = vector.extract %slice3A[0] : i32 from vector<1xi32>
    %add3A_4 = arith.constant 63 : i32
    %add3A_5 = arith.addi %squeeze3A, %add3A_4 : i32
    %jit3A = arith.constant 64 : i32
    %div3A = arith.divsi %add3A_5, %jit3A : i32
    %sign3A = arith.constant 0 : i32
    %sign3A_6 = arith.cmpi sgt, %add3A_5, %sign3A : i32
    %sign3A_7 = arith.extui %sign3A_6 : i1 to i32
    %sign3A_8 = arith.constant 0 : i32
    %sign3A_9 = arith.cmpi slt, %add3A_5, %sign3A_8 : i32
    %sign3A_10 = arith.extui %sign3A_9 : i1 to i32
    %sign3A_11 = arith.subi %sign3A_7, %sign3A_10 : i32
    %sign3A_12 = arith.constant 0 : i32
    %sign3A_13 = arith.cmpi sgt, %jit3A, %sign3A_12 : i32
    %sign3A_14 = arith.extui %sign3A_13 : i1 to i32
    %sign3A_15 = arith.constant 0 : i32
    %sign3A_16 = arith.cmpi slt, %jit3A, %sign3A_15 : i32
    %sign3A_17 = arith.extui %sign3A_16 : i1 to i32
    %sign3A_18 = arith.subi %sign3A_14, %sign3A_17 : i32
    %ne3A = arith.cmpi ne, %sign3A_11, %sign3A_18 : i32
    %rem3A = arith.remsi %add3A_5, %jit3A : i32
    %ne3A_19 = arith.constant 0 : i32
    %ne3A_20 = arith.cmpi ne, %rem3A, %ne3A_19 : i32
    %and3A = arith.andi %ne3A, %ne3A_20 : i1
    %sub3A = arith.constant 1 : i32
    %sub3A_21 = arith.subi %div3A, %sub3A : i32
    %select_n3A = arith.select %and3A, %sub3A_21, %div3A : i32
    %sub3A_22 = arith.constant 0 : i32
    %sub3A_23 = arith.subi %select_n3A, %sub3A_22 : i32
    %sub3A_24 = arith.constant 1 : i32
    %sub3A_25 = arith.constant 1 : i32
    %sub3A_26 = arith.subi %sub3A_24, %sub3A_25 : i32
    %add3A_27 = arith.addi %sub3A_23, %sub3A_26 : i32
    %div3A_28 = arith.constant 1 : i32
    %div3A_29 = arith.divsi %add3A_27, %div3A_28 : i32
    %while3A = arith.constant 1 : i32
    %while3A_30 = arith.constant 0 : i32
    %while3A_31 = arith.constant 0 : i32
    %while3A_32 = arith.subi %div3A_29, %while3A_31 : i32
    %while3A_33 = arith.addi %while3A_31, %while3A_32 : i32
    %while3A_34 = arith.constant 1 : i32
    %while3A_35 = arith.divsi %while3A_32, %while3A_34 : i32
    %while3A_36 = arith.muli %while3A_35, %while3A_34 : i32
    %while3A_37 = arith.addi %while3A_31, %while3A_36 : i32
    %while3A_38 = arith.constant 1 : i32
    scf.for %while3A_93 = %while3A_31 to %while3A_37 step %while3A_38  : i32 {
      %mul3A_94 = arith.muli %while3A_93, %while3A : i32
      %add3A_95 = arith.addi %while3A_30, %mul3A_94 : i32
      %mul3A_96 = arith.constant 64 : i32
      %mul3A_97 = arith.muli %add3A_95, %mul3A_96 : i32
      %mul3A_98 = arith.constant 64 : i32
      %mul3A_99 = arith.muli %add3A_95, %mul3A_98 : i32
      %dma_start3A = arith.constant 0 : i32
      %dma_start3A_100 = arith.constant 0 : i32
      %dma_start3A_101 = tpu.memref_slice %arg9[%mul3A_99, %dma_start3A_100] : memref<256x32xi32, #tpu.memory_space<vmem>> -> memref<64x32xi32, #tpu.memory_space<vmem>>
      %dma_start3A_102 = tpu.memref_slice %arg6[%dma_start3A, %mul3A_97] : memref<128x200xi32, #tpu.memory_space<vmem>> -> memref<1x64xi32, #tpu.memory_space<vmem>>
      %dma_start3A_103 = tpu.memref_squeeze %dma_start3A_102 : memref<1x64xi32, #tpu.memory_space<vmem>> -> memref<64xi32, #tpu.memory_space<vmem>>
      %dma_start3A_104 = arith.constant 0 : i32
      %dma_start3A_105 = arith.constant 0 : i32
      %dma_start3A_106 = tpu.memref_slice %arg4[%dma_start3A_104, %dma_start3A_105] : memref<100000x32xi32, #tpu.memory_space<hbm>> -> memref<100000x32xi32, #tpu.memory_space<hbm>>
      tpu.enqueue_indirect_dma source(%dma_start3A_106 : memref<100000x32xi32, #tpu.memory_space<hbm>>) target(%dma_start3A_101 : memref<64x32xi32, #tpu.memory_space<vmem>>) offsets(%dma_start3A_103 : memref<64xi32, #tpu.memory_space<vmem>>) semaphore(%arg11 : memref<!tpu.dma_semaphore, #tpu.memory_space<semaphore_mem>>)
    }
    %while3A_39 = arith.constant 1 : i32
    scf.for %while3A_93 = %while3A_37 to %while3A_33 step %while3A_39  : i32 {
      %mul3A_94 = arith.muli %while3A_93, %while3A : i32
      %add3A_95 = arith.addi %while3A_30, %mul3A_94 : i32
      %mul3A_96 = arith.constant 64 : i32
      %mul3A_97 = arith.muli %add3A_95, %mul3A_96 : i32
      %mul3A_98 = arith.constant 64 : i32
      %mul3A_99 = arith.muli %add3A_95, %mul3A_98 : i32
      %dma_start3A = arith.constant 0 : i32
      %dma_start3A_100 = arith.constant 0 : i32
      %dma_start3A_101 = tpu.memref_slice %arg9[%mul3A_99, %dma_start3A_100] : memref<256x32xi32, #tpu.memory_space<vmem>> -> memref<64x32xi32, #tpu.memory_space<vmem>>
      %dma_start3A_102 = tpu.memref_slice %arg6[%dma_start3A, %mul3A_97] : memref<128x200xi32, #tpu.memory_space<vmem>> -> memref<1x64xi32, #tpu.memory_space<vmem>>
      %dma_start3A_103 = tpu.memref_squeeze %dma_start3A_102 : memref<1x64xi32, #tpu.memory_space<vmem>> -> memref<64xi32, #tpu.memory_space<vmem>>
      %dma_start3A_104 = arith.constant 0 : i32
      %dma_start3A_105 = arith.constant 0 : i32
      %dma_start3A_106 = tpu.memref_slice %arg4[%dma_start3A_104, %dma_start3A_105] : memref<100000x32xi32, #tpu.memory_space<hbm>> -> memref<100000x32xi32, #tpu.memory_space<hbm>>
      tpu.enqueue_indirect_dma source(%dma_start3A_106 : memref<100000x32xi32, #tpu.memory_space<hbm>>) target(%dma_start3A_101 : memref<64x32xi32, #tpu.memory_space<vmem>>) offsets(%dma_start3A_103 : memref<64xi32, #tpu.memory_space<vmem>>) semaphore(%arg11 : memref<!tpu.dma_semaphore, #tpu.memory_space<semaphore_mem>>)
    }
    %scan3A = arith.constant 0 : i32
    %scan3A_40 = arith.constant 64 : i32
    %scan3A_41 = arith.addi %scan3A, %scan3A_40 : i32
    %scan3A_42 = arith.constant 1 : i32
    scf.for %scan3A_93 = %scan3A to %scan3A_41 step %scan3A_42  : i32 {
      %mul3A_94 = arith.constant 2 : i32
      %mul3A_95 = arith.muli %scan3A_93, %mul3A_94 : i32
      %add3A_96 = arith.constant 0 : i32
      %add3A_97 = arith.addi %add3A_96, %mul3A_95 : i32
      %add3A_98 = arith.constant 1 : i32
      %add3A_99 = arith.addi %add3A_97, %add3A_98 : i32
      %get3A_100 = arith.index_cast %add3A_99 : i32 to index
      %get3A_101 = tpu.vector_load %arg7[%get3A_100] {strides = array<i32>} : memref<144xi32, #tpu.memory_space<vmem>>, vector<16xi32>,
      %slice3A_102 = vector.extract_strided_slice %get3A_101 {offsets = [0], sizes = [1], strides = [1]} : vector<16xi32> to vector<1xi32>
      %squeeze3A_103 = vector.extract %slice3A_102[0] : i32 from vector<1xi32>
      %add3A_104 = arith.constant 63 : i32
      %add3A_105 = arith.addi %squeeze3A_103, %add3A_104 : i32
      %jit3A_106 = arith.constant 64 : i32
      %div3A_107 = arith.divsi %add3A_105, %jit3A_106 : i32
      %sign3A_108 = arith.constant 0 : i32
      %sign3A_109 = arith.cmpi sgt, %add3A_105, %sign3A_108 : i32
      %sign3A_110 = arith.extui %sign3A_109 : i1 to i32
      %sign3A_111 = arith.constant 0 : i32
      %sign3A_112 = arith.cmpi slt, %add3A_105, %sign3A_111 : i32
      %sign3A_113 = arith.extui %sign3A_112 : i1 to i32
      %sign3A_114 = arith.subi %sign3A_110, %sign3A_113 : i32
      %sign3A_115 = arith.constant 0 : i32
      %sign3A_116 = arith.cmpi sgt, %jit3A_106, %sign3A_115 : i32
      %sign3A_117 = arith.extui %sign3A_116 : i1 to i32
      %sign3A_118 = arith.constant 0 : i32
      %sign3A_119 = arith.cmpi slt, %jit3A_106, %sign3A_118 : i32
      %sign3A_120 = arith.extui %sign3A_119 : i1 to i32
      %sign3A_121 = arith.subi %sign3A_117, %sign3A_120 : i32
      %ne3A_122 = arith.cmpi ne, %sign3A_114, %sign3A_121 : i32
      %rem3A_123 = arith.remsi %add3A_105, %jit3A_106 : i32
      %ne3A_124 = arith.constant 0 : i32
      %ne3A_125 = arith.cmpi ne, %rem3A_123, %ne3A_124 : i32
      %and3A_126 = arith.andi %ne3A_122, %ne3A_125 : i1
      %sub3A_127 = arith.constant 1 : i32
      %sub3A_128 = arith.subi %div3A_107, %sub3A_127 : i32
      %select_n3A_129 = arith.select %and3A_126, %sub3A_128, %div3A_107 : i32
      %sub3A_130 = arith.constant 0 : i32
      %sub3A_131 = arith.subi %select_n3A_129, %sub3A_130 : i32
      %sub3A_132 = arith.constant 1 : i32
      %sub3A_133 = arith.constant 1 : i32
      %sub3A_134 = arith.subi %sub3A_132, %sub3A_133 : i32
      %add3A_135 = arith.addi %sub3A_131, %sub3A_134 : i32
      %div3A_136 = arith.constant 1 : i32
      %div3A_137 = arith.divsi %add3A_135, %div3A_136 : i32
      %while3A_138 = arith.constant 1 : i32
      %while3A_139 = arith.constant 0 : i32
      %while3A_140 = arith.constant 0 : i32
      %while3A_141 = arith.subi %div3A_137, %while3A_140 : i32
      %while3A_142 = arith.addi %while3A_140, %while3A_141 : i32
      %while3A_143 = arith.constant 1 : i32
      %while3A_144 = arith.divsi %while3A_141, %while3A_143 : i32
      %while3A_145 = arith.muli %while3A_144, %while3A_143 : i32
      %while3A_146 = arith.addi %while3A_140, %while3A_145 : i32
      %while3A_147 = arith.constant 1 : i32
      scf.for %while3A_481 = %while3A_140 to %while3A_146 step %while3A_147  : i32 {
        %mul3A_482 = arith.muli %while3A_481, %while3A_138 : i32
        %add3A_483 = arith.addi %while3A_139, %mul3A_482 : i32
        %mul3A_484 = arith.constant 64 : i32
        %mul3A_485 = arith.muli %add3A_483, %mul3A_484 : i32
        %mul3A_486 = arith.constant 64 : i32
        %mul3A_487 = arith.muli %add3A_483, %mul3A_486 : i32
        %dma_start3A = arith.constant 0 : i32
        %dma_start3A_488 = tpu.memref_slice %arg10[%mul3A_487, %dma_start3A] : memref<256x32xi32, #tpu.memory_space<vmem>> -> memref<64x32xi32, #tpu.memory_space<vmem>>
        %dma_start3A_489 = tpu.memref_slice %arg6[%add3A_99, %mul3A_485] : memref<128x200xi32, #tpu.memory_space<vmem>> -> memref<1x64xi32, #tpu.memory_space<vmem>>
        %dma_start3A_490 = tpu.memref_squeeze %dma_start3A_489 : memref<1x64xi32, #tpu.memory_space<vmem>> -> memref<64xi32, #tpu.memory_space<vmem>>
        %dma_start3A_491 = arith.constant 0 : i32
        %dma_start3A_492 = arith.constant 0 : i32
        %dma_start3A_493 = tpu.memref_slice %arg4[%dma_start3A_491, %dma_start3A_492] : memref<100000x32xi32, #tpu.memory_space<hbm>> -> memref<100000x32xi32, #tpu.memory_space<hbm>>
        tpu.enqueue_indirect_dma source(%dma_start3A_493 : memref<100000x32xi32, #tpu.memory_space<hbm>>) target(%dma_start3A_488 : memref<64x32xi32, #tpu.memory_space<vmem>>) offsets(%dma_start3A_490 : memref<64xi32, #tpu.memory_space<vmem>>) semaphore(%arg12 : memref<!tpu.dma_semaphore, #tpu.memory_space<semaphore_mem>>)
      }
      %while3A_148 = arith.constant 1 : i32
      scf.for %while3A_481 = %while3A_146 to %while3A_142 step %while3A_148  : i32 {
        %mul3A_482 = arith.muli %while3A_481, %while3A_138 : i32
        %add3A_483 = arith.addi %while3A_139, %mul3A_482 : i32
        %mul3A_484 = arith.constant 64 : i32
        %mul3A_485 = arith.muli %add3A_483, %mul3A_484 : i32
        %mul3A_486 = arith.constant 64 : i32
        %mul3A_487 = arith.muli %add3A_483, %mul3A_486 : i32
        %dma_start3A = arith.constant 0 : i32
        %dma_start3A_488 = tpu.memref_slice %arg10[%mul3A_487, %dma_start3A] : memref<256x32xi32, #tpu.memory_space<vmem>> -> memref<64x32xi32, #tpu.memory_space<vmem>>
        %dma_start3A_489 = tpu.memref_slice %arg6[%add3A_99, %mul3A_485] : memref<128x200xi32, #tpu.memory_space<vmem>> -> memref<1x64xi32, #tpu.memory_space<vmem>>
        %dma_start3A_490 = tpu.memref_squeeze %dma_start3A_489 : memref<1x64xi32, #tpu.memory_space<vmem>> -> memref<64xi32, #tpu.memory_space<vmem>>
        %dma_start3A_491 = arith.constant 0 : i32
        %dma_start3A_492 = arith.constant 0 : i32
        %dma_start3A_493 = tpu.memref_slice %arg4[%dma_start3A_491, %dma_start3A_492] : memref<100000x32xi32, #tpu.memory_space<hbm>> -> memref<100000x32xi32, #tpu.memory_space<hbm>>
        tpu.enqueue_indirect_dma source(%dma_start3A_493 : memref<100000x32xi32, #tpu.memory_space<hbm>>) target(%dma_start3A_488 : memref<64x32xi32, #tpu.memory_space<vmem>>) offsets(%dma_start3A_490 : memref<64xi32, #tpu.memory_space<vmem>>) semaphore(%arg12 : memref<!tpu.dma_semaphore, #tpu.memory_space<semaphore_mem>>)
      }
      %get3A_149 = arith.index_cast %add3A_97 : i32 to index
      %get3A_150 = tpu.vector_load %arg7[%get3A_149] {strides = array<i32>} : memref<144xi32, #tpu.memory_space<vmem>>, vector<16xi32>,
      %slice3A_151 = vector.extract_strided_slice %get3A_150 {offsets = [0], sizes = [1], strides = [1]} : vector<16xi32> to vector<1xi32>
      %squeeze3A_152 = vector.extract %slice3A_151[0] : i32 from vector<1xi32>
      %add3A_153 = arith.constant 63 : i32
      %add3A_154 = arith.addi %squeeze3A_152, %add3A_153 : i32
      %jit3A_155 = arith.constant 64 : i32
      %div3A_156 = arith.divsi %add3A_154, %jit3A_155 : i32
      %sign3A_157 = arith.constant 0 : i32
      %sign3A_158 = arith.cmpi sgt, %add3A_154, %sign3A_157 : i32
      %sign3A_159 = arith.extui %sign3A_158 : i1 to i32
      %sign3A_160 = arith.constant 0 : i32
      %sign3A_161 = arith.cmpi slt, %add3A_154, %sign3A_160 : i32
      %sign3A_162 = arith.extui %sign3A_161 : i1 to i32
      %sign3A_163 = arith.subi %sign3A_159, %sign3A_162 : i32
      %sign3A_164 = arith.constant 0 : i32
      %sign3A_165 = arith.cmpi sgt, %jit3A_155, %sign3A_164 : i32
      %sign3A_166 = arith.extui %sign3A_165 : i1 to i32
      %sign3A_167 = arith.constant 0 : i32
      %sign3A_168 = arith.cmpi slt, %jit3A_155, %sign3A_167 : i32
      %sign3A_169 = arith.extui %sign3A_168 : i1 to i32
      %sign3A_170 = arith.subi %sign3A_166, %sign3A_169 : i32
      %ne3A_171 = arith.cmpi ne, %sign3A_163, %sign3A_170 : i32
      %rem3A_172 = arith.remsi %add3A_154, %jit3A_155 : i32
      %ne3A_173 = arith.constant 0 : i32
      %ne3A_174 = arith.cmpi ne, %rem3A_172, %ne3A_173 : i32
      %and3A_175 = arith.andi %ne3A_171, %ne3A_174 : i1
      %sub3A_176 = arith.constant 1 : i32
      %sub3A_177 = arith.subi %div3A_156, %sub3A_176 : i32
      %select_n3A_178 = arith.select %and3A_175, %sub3A_177, %div3A_156 : i32
      %sub3A_179 = arith.constant 0 : i32
      %sub3A_180 = arith.subi %select_n3A_178, %sub3A_179 : i32
      %sub3A_181 = arith.constant 1 : i32
      %sub3A_182 = arith.constant 1 : i32
      %sub3A_183 = arith.subi %sub3A_181, %sub3A_182 : i32
      %add3A_184 = arith.addi %sub3A_180, %sub3A_183 : i32
      %div3A_185 = arith.constant 1 : i32
      %div3A_186 = arith.divsi %add3A_184, %div3A_185 : i32
      %while3A_187 = arith.constant 1 : i32
      %while3A_188 = arith.constant 0 : i32
      %while3A_189 = arith.constant 0 : i32
      %while3A_190 = arith.subi %div3A_186, %while3A_189 : i32
      %while3A_191 = arith.addi %while3A_189, %while3A_190 : i32
      %while3A_192 = arith.constant 1 : i32
      %while3A_193 = arith.divsi %while3A_190, %while3A_192 : i32
      %while3A_194 = arith.muli %while3A_193, %while3A_192 : i32
      %while3A_195 = arith.addi %while3A_189, %while3A_194 : i32
      %while3A_196 = arith.constant 1 : i32
      scf.for %while3A_481 = %while3A_189 to %while3A_195 step %while3A_196  : i32 {
        %mul3A_482 = arith.muli %while3A_481, %while3A_187 : i32
        %add3A_483 = arith.addi %while3A_188, %mul3A_482 : i32
        %mul3A_484 = arith.constant 64 : i32
        %mul3A_485 = arith.muli %add3A_483, %mul3A_484 : i32
        %mul3A_486 = arith.constant 64 : i32
        %mul3A_487 = arith.muli %add3A_483, %mul3A_486 : i32
        %dma_wait3A = arith.constant 0 : i32
        %dma_wait3A_488 = tpu.memref_slice %arg9[%mul3A_487, %dma_wait3A] : memref<256x32xi32, #tpu.memory_space<vmem>> -> memref<64x32xi32, #tpu.memory_space<vmem>>
        %dma_wait3A_489 = tpu.memref_slice %arg6[%add3A_97, %mul3A_485] : memref<128x200xi32, #tpu.memory_space<vmem>> -> memref<1x64xi32, #tpu.memory_space<vmem>>
        %dma_wait3A_490 = tpu.memref_squeeze %dma_wait3A_489 : memref<1x64xi32, #tpu.memory_space<vmem>> -> memref<64xi32, #tpu.memory_space<vmem>>
        %dma_wait3A_491 = arith.constant 0 : i32
        %dma_wait3A_492 = arith.constant 0 : i32
        %dma_wait3A_493 = tpu.memref_slice %arg4[%dma_wait3A_491, %dma_wait3A_492] : memref<100000x32xi32, #tpu.memory_space<hbm>> -> memref<100000x32xi32, #tpu.memory_space<hbm>>
        tpu.wait_indirect_dma semaphore(%arg11 : memref<!tpu.dma_semaphore, #tpu.memory_space<semaphore_mem>>) src(%dma_wait3A_493 : memref<100000x32xi32, #tpu.memory_space<hbm>>) dst(%dma_wait3A_488 : memref<64x32xi32, #tpu.memory_space<vmem>>)
      }
      %while3A_197 = arith.constant 1 : i32
      scf.for %while3A_481 = %while3A_195 to %while3A_191 step %while3A_197  : i32 {
        %mul3A_482 = arith.muli %while3A_481, %while3A_187 : i32
        %add3A_483 = arith.addi %while3A_188, %mul3A_482 : i32
        %mul3A_484 = arith.constant 64 : i32
        %mul3A_485 = arith.muli %add3A_483, %mul3A_484 : i32
        %mul3A_486 = arith.constant 64 : i32
        %mul3A_487 = arith.muli %add3A_483, %mul3A_486 : i32
        %dma_wait3A = arith.constant 0 : i32
        %dma_wait3A_488 = tpu.memref_slice %arg9[%mul3A_487, %dma_wait3A] : memref<256x32xi32, #tpu.memory_space<vmem>> -> memref<64x32xi32, #tpu.memory_space<vmem>>
        %dma_wait3A_489 = tpu.memref_slice %arg6[%add3A_97, %mul3A_485] : memref<128x200xi32, #tpu.memory_space<vmem>> -> memref<1x64xi32, #tpu.memory_space<vmem>>
        %dma_wait3A_490 = tpu.memref_squeeze %dma_wait3A_489 : memref<1x64xi32, #tpu.memory_space<vmem>> -> memref<64xi32, #tpu.memory_space<vmem>>
        %dma_wait3A_491 = arith.constant 0 : i32
        %dma_wait3A_492 = arith.constant 0 : i32
        %dma_wait3A_493 = tpu.memref_slice %arg4[%dma_wait3A_491, %dma_wait3A_492] : memref<100000x32xi32, #tpu.memory_space<hbm>> -> memref<100000x32xi32, #tpu.memory_space<hbm>>
        tpu.wait_indirect_dma semaphore(%arg11 : memref<!tpu.dma_semaphore, #tpu.memory_space<semaphore_mem>>) src(%dma_wait3A_493 : memref<100000x32xi32, #tpu.memory_space<hbm>>) dst(%dma_wait3A_488 : memref<64x32xi32, #tpu.memory_space<vmem>>)
      }
      %get3A_198 = arith.index_cast %add3A_97 : i32 to index
      %get3A_199 = tpu.vector_load %arg7[%get3A_198] {strides = array<i32>} : memref<144xi32, #tpu.memory_space<vmem>>, vector<16xi32>,
      %slice3A_200 = vector.extract_strided_slice %get3A_199 {offsets = [0], sizes = [1], strides = [1]} : vector<16xi32> to vector<1xi32>
      %squeeze3A_201 = vector.extract %slice3A_200[0] : i32 from vector<1xi32>
      %broadcast_in_dim3A = arith.constant 0.000000e+00 : f32
      %broadcast_in_dim3A_202 = vector.broadcast %broadcast_in_dim3A : f32 to vector<16xf32>
      %jit3A_203 = arith.constant 2 : i32
      %div3A_204 = arith.divsi %squeeze3A_201, %jit3A_203 : i32
      %sign3A_205 = arith.constant 0 : i32
      %sign3A_206 = arith.cmpi sgt, %squeeze3A_201, %sign3A_205 : i32
      %sign3A_207 = arith.extui %sign3A_206 : i1 to i32
      %sign3A_208 = arith.constant 0 : i32
      %sign3A_209 = arith.cmpi slt, %squeeze3A_201, %sign3A_208 : i32
      %sign3A_210 = arith.extui %sign3A_209 : i1 to i32
      %sign3A_211 = arith.subi %sign3A_207, %sign3A_210 : i32
      %sign3A_212 = arith.constant 0 : i32
      %sign3A_213 = arith.cmpi sgt, %jit3A_203, %sign3A_212 : i32
      %sign3A_214 = arith.extui %sign3A_213 : i1 to i32
      %sign3A_215 = arith.constant 0 : i32
      %sign3A_216 = arith.cmpi slt, %jit3A_203, %sign3A_215 : i32
      %sign3A_217 = arith.extui %sign3A_216 : i1 to i32
      %sign3A_218 = arith.subi %sign3A_214, %sign3A_217 : i32
      %ne3A_219 = arith.cmpi ne, %sign3A_211, %sign3A_218 : i32
      %rem3A_220 = arith.remsi %squeeze3A_201, %jit3A_203 : i32
      %ne3A_221 = arith.constant 0 : i32
      %ne3A_222 = arith.cmpi ne, %rem3A_220, %ne3A_221 : i32
      %and3A_223 = arith.andi %ne3A_219, %ne3A_222 : i1
      %sub3A_224 = arith.constant 1 : i32
      %sub3A_225 = arith.subi %div3A_204, %sub3A_224 : i32
      %select_n3A_226 = arith.select %and3A_223, %sub3A_225, %div3A_204 : i32
      %mul3A_227 = arith.constant 2 : i32
      %mul3A_228 = arith.muli %select_n3A_226, %mul3A_227 : i32
      %sub3A_229 = arith.constant 0 : i32
      %sub3A_230 = arith.subi %mul3A_228, %sub3A_229 : i32
      %sub3A_231 = arith.constant 2 : i32
      %sub3A_232 = arith.constant 1 : i32
      %sub3A_233 = arith.subi %sub3A_231, %sub3A_232 : i32
      %add3A_234 = arith.addi %sub3A_230, %sub3A_233 : i32
      %div3A_235 = arith.constant 2 : i32
      %div3A_236 = arith.divsi %add3A_234, %div3A_235 : i32
      %while3A_237 = arith.constant 2 : i32
      %while3A_238 = arith.constant 0 : i32
      %while3A_239 = arith.constant 0 : i32
      %while3A_240 = arith.subi %div3A_236, %while3A_239 : i32
      %while3A_241 = arith.addi %while3A_239, %while3A_240 : i32
      %while3A_242 = arith.constant 1 : i32
      %while3A_243 = arith.divsi %while3A_240, %while3A_242 : i32
      %while3A_244 = arith.muli %while3A_243, %while3A_242 : i32
      %while3A_245 = arith.addi %while3A_239, %while3A_244 : i32
      %while3A_246 = arith.constant 1 : i32
      %while3A_247:8 = scf.for %while3A_481 = %while3A_239 to %while3A_245 step %while3A_246 iter_args(%while3A_482 = %broadcast_in_dim3A_202, %while3A_483 = %broadcast_in_dim3A_202, %while3A_484 = %broadcast_in_dim3A_202, %while3A_485 = %broadcast_in_dim3A_202, %while3A_486 = %broadcast_in_dim3A_202, %while3A_487 = %broadcast_in_dim3A_202, %while3A_488 = %broadcast_in_dim3A_202, %while3A_489 = %broadcast_in_dim3A_202) -> (vector<16xf32>, vector<16xf32>, vector<16xf32>, vector<16xf32>, vector<16xf32>, vector<16xf32>, vector<16xf32>, vector<16xf32>)  : i32 {
        %mul3A_490 = arith.muli %while3A_481, %while3A_237 : i32
        %add3A_491 = arith.addi %while3A_238, %mul3A_490 : i32
        %get3A_492 = arith.index_cast %add3A_491 : i32 to index
        %get3A_493 = arith.constant 0 : index
        %get3A_494 = tpu.vector_load %arg9[%get3A_492, %get3A_493] {strides = array<i32>} : memref<256x32xi32, #tpu.memory_space<vmem>>, vector<16xi32>,
        %shift_left3A = arith.constant 16 : i32
        %shift_left3A_495 = vector.broadcast %shift_left3A : i32 to vector<16xi32>
        %shift_left3A_496 = arith.shli %get3A_494, %shift_left3A_495 : vector<16xi32>
        %bitcast3A = vector.bitcast %shift_left3A_496 : vector<16xi32> to vector<16xf32>
        %and3A_497 = arith.constant -65536 : i32
        %and3A_498 = vector.broadcast %and3A_497 : i32 to vector<16xi32>
        %and3A_499 = arith.andi %get3A_494, %and3A_498 : vector<16xi32>
        %bitcast3A_500 = vector.bitcast %and3A_499 : vector<16xi32> to vector<16xf32>
        %get3A_501 = arith.index_cast %add3A_491 : i32 to index
        %get3A_502 = arith.constant 16 : index
        %get3A_503 = tpu.vector_load %arg9[%get3A_501, %get3A_502] {strides = array<i32>} : memref<256x32xi32, #tpu.memory_space<vmem>>, vector<16xi32>,
        %shift_left3A_504 = arith.constant 16 : i32
        %shift_left3A_505 = vector.broadcast %shift_left3A_504 : i32 to vector<16xi32>
        %shift_left3A_506 = arith.shli %get3A_503, %shift_left3A_505 : vector<16xi32>
        %bitcast3A_507 = vector.bitcast %shift_left3A_506 : vector<16xi32> to vector<16xf32>
        %and3A_508 = arith.constant -65536 : i32
        %and3A_509 = vector.broadcast %and3A_508 : i32 to vector<16xi32>
        %and3A_510 = arith.andi %get3A_503, %and3A_509 : vector<16xi32>
        %bitcast3A_511 = vector.bitcast %and3A_510 : vector<16xi32> to vector<16xf32>
        %add3A_512 = arith.addf %while3A_482, %bitcast3A : vector<16xf32>
        %add3A_513 = arith.addf %while3A_483, %bitcast3A_507 : vector<16xf32>
        %add3A_514 = arith.addf %while3A_484, %bitcast3A_500 : vector<16xf32>
        %add3A_515 = arith.addf %while3A_485, %bitcast3A_511 : vector<16xf32>
        %add3A_516 = arith.constant 1 : i32
        %add3A_517 = arith.addi %add3A_491, %add3A_516 : i32
        %get3A_518 = arith.index_cast %add3A_517 : i32 to index
        %get3A_519 = arith.constant 0 : index
        %get3A_520 = tpu.vector_load %arg9[%get3A_518, %get3A_519] {strides = array<i32>} : memref<256x32xi32, #tpu.memory_space<vmem>>, vector<16xi32>,
        %shift_left3A_521 = arith.constant 16 : i32
        %shift_left3A_522 = vector.broadcast %shift_left3A_521 : i32 to vector<16xi32>
        %shift_left3A_523 = arith.shli %get3A_520, %shift_left3A_522 : vector<16xi32>
        %bitcast3A_524 = vector.bitcast %shift_left3A_523 : vector<16xi32> to vector<16xf32>
        %and3A_525 = arith.constant -65536 : i32
        %and3A_526 = vector.broadcast %and3A_525 : i32 to vector<16xi32>
        %and3A_527 = arith.andi %get3A_520, %and3A_526 : vector<16xi32>
        %bitcast3A_528 = vector.bitcast %and3A_527 : vector<16xi32> to vector<16xf32>
        %get3A_529 = arith.index_cast %add3A_517 : i32 to index
        %get3A_530 = arith.constant 16 : index
        %get3A_531 = tpu.vector_load %arg9[%get3A_529, %get3A_530] {strides = array<i32>} : memref<256x32xi32, #tpu.memory_space<vmem>>, vector<16xi32>,
        %shift_left3A_532 = arith.constant 16 : i32
        %shift_left3A_533 = vector.broadcast %shift_left3A_532 : i32 to vector<16xi32>
        %shift_left3A_534 = arith.shli %get3A_531, %shift_left3A_533 : vector<16xi32>
        %bitcast3A_535 = vector.bitcast %shift_left3A_534 : vector<16xi32> to vector<16xf32>
        %and3A_536 = arith.constant -65536 : i32
        %and3A_537 = vector.broadcast %and3A_536 : i32 to vector<16xi32>
        %and3A_538 = arith.andi %get3A_531, %and3A_537 : vector<16xi32>
        %bitcast3A_539 = vector.bitcast %and3A_538 : vector<16xi32> to vector<16xf32>
        %add3A_540 = arith.addf %while3A_486, %bitcast3A_524 : vector<16xf32>
        %add3A_541 = arith.addf %while3A_487, %bitcast3A_535 : vector<16xf32>
        %add3A_542 = arith.addf %while3A_488, %bitcast3A_528 : vector<16xf32>
        %add3A_543 = arith.addf %while3A_489, %bitcast3A_539 : vector<16xf32>
        scf.yield %add3A_512, %add3A_513, %add3A_514, %add3A_515, %add3A_540, %add3A_541, %add3A_542, %add3A_543 : vector<16xf32>, vector<16xf32>, vector<16xf32>, vector<16xf32>, vector<16xf32>, vector<16xf32>, vector<16xf32>, vector<16xf32>
      }
      %while3A_248 = arith.constant 1 : i32
      %while3A_249:8 = scf.for %while3A_481 = %while3A_245 to %while3A_241 step %while3A_248 iter_args(%while3A_482 = %while3A_247#0, %while3A_483 = %while3A_247#1, %while3A_484 = %while3A_247#2, %while3A_485 = %while3A_247#3, %while3A_486 = %while3A_247#4, %while3A_487 = %while3A_247#5, %while3A_488 = %while3A_247#6, %while3A_489 = %while3A_247#7) -> (vector<16xf32>, vector<16xf32>, vector<16xf32>, vector<16xf32>, vector<16xf32>, vector<16xf32>, vector<16xf32>, vector<16xf32>)  : i32 {
        %mul3A_490 = arith.muli %while3A_481, %while3A_237 : i32
        %add3A_491 = arith.addi %while3A_238, %mul3A_490 : i32
        %get3A_492 = arith.index_cast %add3A_491 : i32 to index
        %get3A_493 = arith.constant 0 : index
        %get3A_494 = tpu.vector_load %arg9[%get3A_492, %get3A_493] {strides = array<i32>} : memref<256x32xi32, #tpu.memory_space<vmem>>, vector<16xi32>,
        %shift_left3A = arith.constant 16 : i32
        %shift_left3A_495 = vector.broadcast %shift_left3A : i32 to vector<16xi32>
        %shift_left3A_496 = arith.shli %get3A_494, %shift_left3A_495 : vector<16xi32>
        %bitcast3A = vector.bitcast %shift_left3A_496 : vector<16xi32> to vector<16xf32>
        %and3A_497 = arith.constant -65536 : i32
        %and3A_498 = vector.broadcast %and3A_497 : i32 to vector<16xi32>
        %and3A_499 = arith.andi %get3A_494, %and3A_498 : vector<16xi32>
        %bitcast3A_500 = vector.bitcast %and3A_499 : vector<16xi32> to vector<16xf32>
        %get3A_501 = arith.index_cast %add3A_491 : i32 to index
        %get3A_502 = arith.constant 16 : index
        %get3A_503 = tpu.vector_load %arg9[%get3A_501, %get3A_502] {strides = array<i32>} : memref<256x32xi32, #tpu.memory_space<vmem>>, vector<16xi32>,
        %shift_left3A_504 = arith.constant 16 : i32
        %shift_left3A_505 = vector.broadcast %shift_left3A_504 : i32 to vector<16xi32>
        %shift_left3A_506 = arith.shli %get3A_503, %shift_left3A_505 : vector<16xi32>
        %bitcast3A_507 = vector.bitcast %shift_left3A_506 : vector<16xi32> to vector<16xf32>
        %and3A_508 = arith.constant -65536 : i32
        %and3A_509 = vector.broadcast %and3A_508 : i32 to vector<16xi32>
        %and3A_510 = arith.andi %get3A_503, %and3A_509 : vector<16xi32>
        %bitcast3A_511 = vector.bitcast %and3A_510 : vector<16xi32> to vector<16xf32>
        %add3A_512 = arith.addf %while3A_482, %bitcast3A : vector<16xf32>
        %add3A_513 = arith.addf %while3A_483, %bitcast3A_507 : vector<16xf32>
        %add3A_514 = arith.addf %while3A_484, %bitcast3A_500 : vector<16xf32>
        %add3A_515 = arith.addf %while3A_485, %bitcast3A_511 : vector<16xf32>
        %add3A_516 = arith.constant 1 : i32
        %add3A_517 = arith.addi %add3A_491, %add3A_516 : i32
        %get3A_518 = arith.index_cast %add3A_517 : i32 to index
        %get3A_519 = arith.constant 0 : index
        %get3A_520 = tpu.vector_load %arg9[%get3A_518, %get3A_519] {strides = array<i32>} : memref<256x32xi32, #tpu.memory_space<vmem>>, vector<16xi32>,
        %shift_left3A_521 = arith.constant 16 : i32
        %shift_left3A_522 = vector.broadcast %shift_left3A_521 : i32 to vector<16xi32>
        %shift_left3A_523 = arith.shli %get3A_520, %shift_left3A_522 : vector<16xi32>
        %bitcast3A_524 = vector.bitcast %shift_left3A_523 : vector<16xi32> to vector<16xf32>
        %and3A_525 = arith.constant -65536 : i32
        %and3A_526 = vector.broadcast %and3A_525 : i32 to vector<16xi32>
        %and3A_527 = arith.andi %get3A_520, %and3A_526 : vector<16xi32>
        %bitcast3A_528 = vector.bitcast %and3A_527 : vector<16xi32> to vector<16xf32>
        %get3A_529 = arith.index_cast %add3A_517 : i32 to index
        %get3A_530 = arith.constant 16 : index
        %get3A_531 = tpu.vector_load %arg9[%get3A_529, %get3A_530] {strides = array<i32>} : memref<256x32xi32, #tpu.memory_space<vmem>>, vector<16xi32>,
        %shift_left3A_532 = arith.constant 16 : i32
        %shift_left3A_533 = vector.broadcast %shift_left3A_532 : i32 to vector<16xi32>
        %shift_left3A_534 = arith.shli %get3A_531, %shift_left3A_533 : vector<16xi32>
        %bitcast3A_535 = vector.bitcast %shift_left3A_534 : vector<16xi32> to vector<16xf32>
        %and3A_536 = arith.constant -65536 : i32
        %and3A_537 = vector.broadcast %and3A_536 : i32 to vector<16xi32>
        %and3A_538 = arith.andi %get3A_531, %and3A_537 : vector<16xi32>
        %bitcast3A_539 = vector.bitcast %and3A_538 : vector<16xi32> to vector<16xf32>
        %add3A_540 = arith.addf %while3A_486, %bitcast3A_524 : vector<16xf32>
        %add3A_541 = arith.addf %while3A_487, %bitcast3A_535 : vector<16xf32>
        %add3A_542 = arith.addf %while3A_488, %bitcast3A_528 : vector<16xf32>
        %add3A_543 = arith.addf %while3A_489, %bitcast3A_539 : vector<16xf32>
        scf.yield %add3A_512, %add3A_513, %add3A_514, %add3A_515, %add3A_540, %add3A_541, %add3A_542, %add3A_543 : vector<16xf32>, vector<16xf32>, vector<16xf32>, vector<16xf32>, vector<16xf32>, vector<16xf32>, vector<16xf32>, vector<16xf32>
      }
      %sub3A_250 = arith.subi %squeeze3A_201, %mul3A_228 : i32
      %sub3A_251 = arith.constant 1 : i32
      %sub3A_252 = arith.constant 1 : i32
      %sub3A_253 = arith.subi %sub3A_251, %sub3A_252 : i32
      %add3A_254 = arith.addi %sub3A_250, %sub3A_253 : i32
      %div3A_255 = arith.constant 1 : i32
      %div3A_256 = arith.divsi %add3A_254, %div3A_255 : i32
      %while3A_257 = arith.constant 1 : i32
      %while3A_258 = arith.constant 0 : i32
      %while3A_259 = arith.subi %div3A_256, %while3A_258 : i32
      %while3A_260 = arith.addi %while3A_258, %while3A_259 : i32
      %while3A_261 = arith.constant 1 : i32
      %while3A_262 = arith.divsi %while3A_259, %while3A_261 : i32
      %while3A_263 = arith.muli %while3A_262, %while3A_261 : i32
      %while3A_264 = arith.addi %while3A_258, %while3A_263 : i32
      %while3A_265 = arith.constant 1 : i32
      %while3A_266:4 = scf.for %while3A_481 = %while3A_258 to %while3A_264 step %while3A_265 iter_args(%while3A_482 = %while3A_249#0, %while3A_483 = %while3A_249#1, %while3A_484 = %while3A_249#2, %while3A_485 = %while3A_249#3) -> (vector<16xf32>, vector<16xf32>, vector<16xf32>, vector<16xf32>)  : i32 {
        %mul3A_486 = arith.muli %while3A_481, %while3A_257 : i32
        %add3A_487 = arith.addi %mul3A_228, %mul3A_486 : i32
        %get3A_488 = arith.index_cast %add3A_487 : i32 to index
        %get3A_489 = arith.constant 0 : index
        %get3A_490 = tpu.vector_load %arg9[%get3A_488, %get3A_489] {strides = array<i32>} : memref<256x32xi32, #tpu.memory_space<vmem>>, vector<16xi32>,
        %shift_left3A = arith.constant 16 : i32
        %shift_left3A_491 = vector.broadcast %shift_left3A : i32 to vector<16xi32>
        %shift_left3A_492 = arith.shli %get3A_490, %shift_left3A_491 : vector<16xi32>
        %bitcast3A = vector.bitcast %shift_left3A_492 : vector<16xi32> to vector<16xf32>
        %and3A_493 = arith.constant -65536 : i32
        %and3A_494 = vector.broadcast %and3A_493 : i32 to vector<16xi32>
        %and3A_495 = arith.andi %get3A_490, %and3A_494 : vector<16xi32>
        %bitcast3A_496 = vector.bitcast %and3A_495 : vector<16xi32> to vector<16xf32>
        %get3A_497 = arith.index_cast %add3A_487 : i32 to index
        %get3A_498 = arith.constant 16 : index
        %get3A_499 = tpu.vector_load %arg9[%get3A_497, %get3A_498] {strides = array<i32>} : memref<256x32xi32, #tpu.memory_space<vmem>>, vector<16xi32>,
        %shift_left3A_500 = arith.constant 16 : i32
        %shift_left3A_501 = vector.broadcast %shift_left3A_500 : i32 to vector<16xi32>
        %shift_left3A_502 = arith.shli %get3A_499, %shift_left3A_501 : vector<16xi32>
        %bitcast3A_503 = vector.bitcast %shift_left3A_502 : vector<16xi32> to vector<16xf32>
        %and3A_504 = arith.constant -65536 : i32
        %and3A_505 = vector.broadcast %and3A_504 : i32 to vector<16xi32>
        %and3A_506 = arith.andi %get3A_499, %and3A_505 : vector<16xi32>
        %bitcast3A_507 = vector.bitcast %and3A_506 : vector<16xi32> to vector<16xf32>
        %add3A_508 = arith.addf %while3A_482, %bitcast3A : vector<16xf32>
        %add3A_509 = arith.addf %while3A_483, %bitcast3A_503 : vector<16xf32>
        %add3A_510 = arith.addf %while3A_484, %bitcast3A_496 : vector<16xf32>
        %add3A_511 = arith.addf %while3A_485, %bitcast3A_507 : vector<16xf32>
        scf.yield %add3A_508, %add3A_509, %add3A_510, %add3A_511 : vector<16xf32>, vector<16xf32>, vector<16xf32>, vector<16xf32>
      }
      %while3A_267 = arith.constant 1 : i32
      %while3A_268:4 = scf.for %while3A_481 = %while3A_264 to %while3A_260 step %while3A_267 iter_args(%while3A_482 = %while3A_266#0, %while3A_483 = %while3A_266#1, %while3A_484 = %while3A_266#2, %while3A_485 = %while3A_266#3) -> (vector<16xf32>, vector<16xf32>, vector<16xf32>, vector<16xf32>)  : i32 {
        %mul3A_486 = arith.muli %while3A_481, %while3A_257 : i32
        %add3A_487 = arith.addi %mul3A_228, %mul3A_486 : i32
        %get3A_488 = arith.index_cast %add3A_487 : i32 to index
        %get3A_489 = arith.constant 0 : index
        %get3A_490 = tpu.vector_load %arg9[%get3A_488, %get3A_489] {strides = array<i32>} : memref<256x32xi32, #tpu.memory_space<vmem>>, vector<16xi32>,
        %shift_left3A = arith.constant 16 : i32
        %shift_left3A_491 = vector.broadcast %shift_left3A : i32 to vector<16xi32>
        %shift_left3A_492 = arith.shli %get3A_490, %shift_left3A_491 : vector<16xi32>
        %bitcast3A = vector.bitcast %shift_left3A_492 : vector<16xi32> to vector<16xf32>
        %and3A_493 = arith.constant -65536 : i32
        %and3A_494 = vector.broadcast %and3A_493 : i32 to vector<16xi32>
        %and3A_495 = arith.andi %get3A_490, %and3A_494 : vector<16xi32>
        %bitcast3A_496 = vector.bitcast %and3A_495 : vector<16xi32> to vector<16xf32>
        %get3A_497 = arith.index_cast %add3A_487 : i32 to index
        %get3A_498 = arith.constant 16 : index
        %get3A_499 = tpu.vector_load %arg9[%get3A_497, %get3A_498] {strides = array<i32>} : memref<256x32xi32, #tpu.memory_space<vmem>>, vector<16xi32>,
        %shift_left3A_500 = arith.constant 16 : i32
        %shift_left3A_501 = vector.broadcast %shift_left3A_500 : i32 to vector<16xi32>
        %shift_left3A_502 = arith.shli %get3A_499, %shift_left3A_501 : vector<16xi32>
        %bitcast3A_503 = vector.bitcast %shift_left3A_502 : vector<16xi32> to vector<16xf32>
        %and3A_504 = arith.constant -65536 : i32
        %and3A_505 = vector.broadcast %and3A_504 : i32 to vector<16xi32>
        %and3A_506 = arith.andi %get3A_499, %and3A_505 : vector<16xi32>
        %bitcast3A_507 = vector.bitcast %and3A_506 : vector<16xi32> to vector<16xf32>
        %add3A_508 = arith.addf %while3A_482, %bitcast3A : vector<16xf32>
        %add3A_509 = arith.addf %while3A_483, %bitcast3A_503 : vector<16xf32>
        %add3A_510 = arith.addf %while3A_484, %bitcast3A_496 : vector<16xf32>
        %add3A_511 = arith.addf %while3A_485, %bitcast3A_507 : vector<16xf32>
        scf.yield %add3A_508, %add3A_509, %add3A_510, %add3A_511 : vector<16xf32>, vector<16xf32>, vector<16xf32>, vector<16xf32>
      }
      %add3A_269 = arith.addf %while3A_268#0, %while3A_249#4 : vector<16xf32>
      %swap3A = arith.index_cast %add3A_97 : i32 to index
      %swap3A_270 = arith.constant 0 : index
      %swap3A_271 = tpu.vector_load %arg8[%swap3A, %swap3A_270] {strides = array<i32>} : memref<128x64xf32, #tpu.memory_space<vmem>>, vector<16xf32>,
      tpu.vector_store %arg8[%swap3A, %swap3A_270], %add3A_269 {strides = array<i32>} : memref<128x64xf32, #tpu.memory_space<vmem>>, vector<16xf32>,
      %add3A_272 = arith.addf %while3A_268#1, %while3A_249#5 : vector<16xf32>
      %swap3A_273 = arith.index_cast %add3A_97 : i32 to index
      %swap3A_274 = arith.constant 16 : index
      %swap3A_275 = tpu.vector_load %arg8[%swap3A_273, %swap3A_274] {strides = array<i32>} : memref<128x64xf32, #tpu.memory_space<vmem>>, vector<16xf32>,
      tpu.vector_store %arg8[%swap3A_273, %swap3A_274], %add3A_272 {strides = array<i32>} : memref<128x64xf32, #tpu.memory_space<vmem>>, vector<16xf32>,
      %add3A_276 = arith.addf %while3A_268#2, %while3A_249#6 : vector<16xf32>
      %swap3A_277 = arith.index_cast %add3A_97 : i32 to index
      %swap3A_278 = arith.constant 32 : index
      %swap3A_279 = tpu.vector_load %arg8[%swap3A_277, %swap3A_278] {strides = array<i32>} : memref<128x64xf32, #tpu.memory_space<vmem>>, vector<16xf32>,
      tpu.vector_store %arg8[%swap3A_277, %swap3A_278], %add3A_276 {strides = array<i32>} : memref<128x64xf32, #tpu.memory_space<vmem>>, vector<16xf32>,
      %add3A_280 = arith.addf %while3A_268#3, %while3A_249#7 : vector<16xf32>
      %swap3A_281 = arith.index_cast %add3A_97 : i32 to index
      %swap3A_282 = arith.constant 48 : index
      %swap3A_283 = tpu.vector_load %arg8[%swap3A_281, %swap3A_282] {strides = array<i32>} : memref<128x64xf32, #tpu.memory_space<vmem>>, vector<16xf32>,
      tpu.vector_store %arg8[%swap3A_281, %swap3A_282], %add3A_280 {strides = array<i32>} : memref<128x64xf32, #tpu.memory_space<vmem>>, vector<16xf32>,
      %add3A_284 = arith.constant 2 : i32
      %add3A_285 = arith.addi %add3A_97, %add3A_284 : i32
      %ge3A = arith.constant 128 : i32
      %ge3A_286 = arith.cmpi sge, %add3A_285, %ge3A : i32
      %add3A_287 = arith.constant 2 : i32
      %add3A_288 = arith.addi %add3A_97, %add3A_287 : i32
      %jit3A_289 = arith.constant 0 : i32
      %select_n3A_290 = arith.select %ge3A_286, %jit3A_289, %add3A_288 : i32
      %get3A_291 = arith.index_cast %select_n3A_290 : i32 to index
      %get3A_292 = tpu.vector_load %arg7[%get3A_291] {strides = array<i32>} : memref<144xi32, #tpu.memory_space<vmem>>, vector<16xi32>,
      %slice3A_293 = vector.extract_strided_slice %get3A_292 {offsets = [0], sizes = [1], strides = [1]} : vector<16xi32> to vector<1xi32>
      %squeeze3A_294 = vector.extract %slice3A_293[0] : i32 from vector<1xi32>
      %add3A_295 = arith.constant 63 : i32
      %add3A_296 = arith.addi %squeeze3A_294, %add3A_295 : i32
      %jit3A_297 = arith.constant 64 : i32
      %div3A_298 = arith.divsi %add3A_296, %jit3A_297 : i32
      %sign3A_299 = arith.constant 0 : i32
      %sign3A_300 = arith.cmpi sgt, %add3A_296, %sign3A_299 : i32
      %sign3A_301 = arith.extui %sign3A_300 : i1 to i32
      %sign3A_302 = arith.constant 0 : i32
      %sign3A_303 = arith.cmpi slt, %add3A_296, %sign3A_302 : i32
      %sign3A_304 = arith.extui %sign3A_303 : i1 to i32
      %sign3A_305 = arith.subi %sign3A_301, %sign3A_304 : i32
      %sign3A_306 = arith.constant 0 : i32
      %sign3A_307 = arith.cmpi sgt, %jit3A_297, %sign3A_306 : i32
      %sign3A_308 = arith.extui %sign3A_307 : i1 to i32
      %sign3A_309 = arith.constant 0 : i32
      %sign3A_310 = arith.cmpi slt, %jit3A_297, %sign3A_309 : i32
      %sign3A_311 = arith.extui %sign3A_310 : i1 to i32
      %sign3A_312 = arith.subi %sign3A_308, %sign3A_311 : i32
      %ne3A_313 = arith.cmpi ne, %sign3A_305, %sign3A_312 : i32
      %rem3A_314 = arith.remsi %add3A_296, %jit3A_297 : i32
      %ne3A_315 = arith.constant 0 : i32
      %ne3A_316 = arith.cmpi ne, %rem3A_314, %ne3A_315 : i32
      %and3A_317 = arith.andi %ne3A_313, %ne3A_316 : i1
      %sub3A_318 = arith.constant 1 : i32
      %sub3A_319 = arith.subi %div3A_298, %sub3A_318 : i32
      %select_n3A_320 = arith.select %and3A_317, %sub3A_319, %div3A_298 : i32
      %sub3A_321 = arith.constant 0 : i32
      %sub3A_322 = arith.subi %select_n3A_320, %sub3A_321 : i32
      %sub3A_323 = arith.constant 1 : i32
      %sub3A_324 = arith.constant 1 : i32
      %sub3A_325 = arith.subi %sub3A_323, %sub3A_324 : i32
      %add3A_326 = arith.addi %sub3A_322, %sub3A_325 : i32
      %div3A_327 = arith.constant 1 : i32
      %div3A_328 = arith.divsi %add3A_326, %div3A_327 : i32
      %while3A_329 = arith.constant 1 : i32
      %while3A_330 = arith.constant 0 : i32
      %while3A_331 = arith.constant 0 : i32
      %while3A_332 = arith.subi %div3A_328, %while3A_331 : i32
      %while3A_333 = arith.addi %while3A_331, %while3A_332 : i32
      %while3A_334 = arith.constant 1 : i32
      %while3A_335 = arith.divsi %while3A_332, %while3A_334 : i32
      %while3A_336 = arith.muli %while3A_335, %while3A_334 : i32
      %while3A_337 = arith.addi %while3A_331, %while3A_336 : i32
      %while3A_338 = arith.constant 1 : i32
      scf.for %while3A_481 = %while3A_331 to %while3A_337 step %while3A_338  : i32 {
        %mul3A_482 = arith.muli %while3A_481, %while3A_329 : i32
        %add3A_483 = arith.addi %while3A_330, %mul3A_482 : i32
        %mul3A_484 = arith.constant 64 : i32
        %mul3A_485 = arith.muli %add3A_483, %mul3A_484 : i32
        %mul3A_486 = arith.constant 64 : i32
        %mul3A_487 = arith.muli %add3A_483, %mul3A_486 : i32
        %dma_start3A = arith.constant 0 : i32
        %dma_start3A_488 = tpu.memref_slice %arg9[%mul3A_487, %dma_start3A] : memref<256x32xi32, #tpu.memory_space<vmem>> -> memref<64x32xi32, #tpu.memory_space<vmem>>
        %dma_start3A_489 = tpu.memref_slice %arg6[%select_n3A_290, %mul3A_485] : memref<128x200xi32, #tpu.memory_space<vmem>> -> memref<1x64xi32, #tpu.memory_space<vmem>>
        %dma_start3A_490 = tpu.memref_squeeze %dma_start3A_489 : memref<1x64xi32, #tpu.memory_space<vmem>> -> memref<64xi32, #tpu.memory_space<vmem>>
        %dma_start3A_491 = arith.constant 0 : i32
        %dma_start3A_492 = arith.constant 0 : i32
        %dma_start3A_493 = tpu.memref_slice %arg4[%dma_start3A_491, %dma_start3A_492] : memref<100000x32xi32, #tpu.memory_space<hbm>> -> memref<100000x32xi32, #tpu.memory_space<hbm>>
        tpu.enqueue_indirect_dma source(%dma_start3A_493 : memref<100000x32xi32, #tpu.memory_space<hbm>>) target(%dma_start3A_488 : memref<64x32xi32, #tpu.memory_space<vmem>>) offsets(%dma_start3A_490 : memref<64xi32, #tpu.memory_space<vmem>>) semaphore(%arg11 : memref<!tpu.dma_semaphore, #tpu.memory_space<semaphore_mem>>)
      }
      %while3A_339 = arith.constant 1 : i32
      scf.for %while3A_481 = %while3A_337 to %while3A_333 step %while3A_339  : i32 {
        %mul3A_482 = arith.muli %while3A_481, %while3A_329 : i32
        %add3A_483 = arith.addi %while3A_330, %mul3A_482 : i32
        %mul3A_484 = arith.constant 64 : i32
        %mul3A_485 = arith.muli %add3A_483, %mul3A_484 : i32
        %mul3A_486 = arith.constant 64 : i32
        %mul3A_487 = arith.muli %add3A_483, %mul3A_486 : i32
        %dma_start3A = arith.constant 0 : i32
        %dma_start3A_488 = tpu.memref_slice %arg9[%mul3A_487, %dma_start3A] : memref<256x32xi32, #tpu.memory_space<vmem>> -> memref<64x32xi32, #tpu.memory_space<vmem>>
        %dma_start3A_489 = tpu.memref_slice %arg6[%select_n3A_290, %mul3A_485] : memref<128x200xi32, #tpu.memory_space<vmem>> -> memref<1x64xi32, #tpu.memory_space<vmem>>
        %dma_start3A_490 = tpu.memref_squeeze %dma_start3A_489 : memref<1x64xi32, #tpu.memory_space<vmem>> -> memref<64xi32, #tpu.memory_space<vmem>>
        %dma_start3A_491 = arith.constant 0 : i32
        %dma_start3A_492 = arith.constant 0 : i32
        %dma_start3A_493 = tpu.memref_slice %arg4[%dma_start3A_491, %dma_start3A_492] : memref<100000x32xi32, #tpu.memory_space<hbm>> -> memref<100000x32xi32, #tpu.memory_space<hbm>>
        tpu.enqueue_indirect_dma source(%dma_start3A_493 : memref<100000x32xi32, #tpu.memory_space<hbm>>) target(%dma_start3A_488 : memref<64x32xi32, #tpu.memory_space<vmem>>) offsets(%dma_start3A_490 : memref<64xi32, #tpu.memory_space<vmem>>) semaphore(%arg11 : memref<!tpu.dma_semaphore, #tpu.memory_space<semaphore_mem>>)
      }
      %add3A_340 = arith.constant 1 : i32
      %add3A_341 = arith.addi %add3A_97, %add3A_340 : i32
      %get3A_342 = arith.index_cast %add3A_341 : i32 to index
      %get3A_343 = tpu.vector_load %arg7[%get3A_342] {strides = array<i32>} : memref<144xi32, #tpu.memory_space<vmem>>, vector<16xi32>,
      %slice3A_344 = vector.extract_strided_slice %get3A_343 {offsets = [0], sizes = [1], strides = [1]} : vector<16xi32> to vector<1xi32>
      %squeeze3A_345 = vector.extract %slice3A_344[0] : i32 from vector<1xi32>
      %add3A_346 = arith.constant 63 : i32
      %add3A_347 = arith.addi %squeeze3A_345, %add3A_346 : i32
      %jit3A_348 = arith.constant 64 : i32
      %div3A_349 = arith.divsi %add3A_347, %jit3A_348 : i32
      %sign3A_350 = arith.constant 0 : i32
      %sign3A_351 = arith.cmpi sgt, %add3A_347, %sign3A_350 : i32
      %sign3A_352 = arith.extui %sign3A_351 : i1 to i32
      %sign3A_353 = arith.constant 0 : i32
      %sign3A_354 = arith.cmpi slt, %add3A_347, %sign3A_353 : i32
      %sign3A_355 = arith.extui %sign3A_354 : i1 to i32
      %sign3A_356 = arith.subi %sign3A_352, %sign3A_355 : i32
      %sign3A_357 = arith.constant 0 : i32
      %sign3A_358 = arith.cmpi sgt, %jit3A_348, %sign3A_357 : i32
      %sign3A_359 = arith.extui %sign3A_358 : i1 to i32
      %sign3A_360 = arith.constant 0 : i32
      %sign3A_361 = arith.cmpi slt, %jit3A_348, %sign3A_360 : i32
      %sign3A_362 = arith.extui %sign3A_361 : i1 to i32
      %sign3A_363 = arith.subi %sign3A_359, %sign3A_362 : i32
      %ne3A_364 = arith.cmpi ne, %sign3A_356, %sign3A_363 : i32
      %rem3A_365 = arith.remsi %add3A_347, %jit3A_348 : i32
      %ne3A_366 = arith.constant 0 : i32
      %ne3A_367 = arith.cmpi ne, %rem3A_365, %ne3A_366 : i32
      %and3A_368 = arith.andi %ne3A_364, %ne3A_367 : i1
      %sub3A_369 = arith.constant 1 : i32
      %sub3A_370 = arith.subi %div3A_349, %sub3A_369 : i32
      %select_n3A_371 = arith.select %and3A_368, %sub3A_370, %div3A_349 : i32
      %sub3A_372 = arith.constant 0 : i32
      %sub3A_373 = arith.subi %select_n3A_371, %sub3A_372 : i32
      %sub3A_374 = arith.constant 1 : i32
      %sub3A_375 = arith.constant 1 : i32
      %sub3A_376 = arith.subi %sub3A_374, %sub3A_375 : i32
      %add3A_377 = arith.addi %sub3A_373, %sub3A_376 : i32
      %div3A_378 = arith.constant 1 : i32
      %div3A_379 = arith.divsi %add3A_377, %div3A_378 : i32
      %while3A_380 = arith.constant 1 : i32
      %while3A_381 = arith.constant 0 : i32
      %while3A_382 = arith.constant 0 : i32
      %while3A_383 = arith.subi %div3A_379, %while3A_382 : i32
      %while3A_384 = arith.addi %while3A_382, %while3A_383 : i32
      %while3A_385 = arith.constant 1 : i32
      %while3A_386 = arith.divsi %while3A_383, %while3A_385 : i32
      %while3A_387 = arith.muli %while3A_386, %while3A_385 : i32
      %while3A_388 = arith.addi %while3A_382, %while3A_387 : i32
      %while3A_389 = arith.constant 1 : i32
      scf.for %while3A_481 = %while3A_382 to %while3A_388 step %while3A_389  : i32 {
        %mul3A_482 = arith.muli %while3A_481, %while3A_380 : i32
        %add3A_483 = arith.addi %while3A_381, %mul3A_482 : i32
        %mul3A_484 = arith.constant 64 : i32
        %mul3A_485 = arith.muli %add3A_483, %mul3A_484 : i32
        %mul3A_486 = arith.constant 64 : i32
        %mul3A_487 = arith.muli %add3A_483, %mul3A_486 : i32
        %dma_wait3A = arith.constant 0 : i32
        %dma_wait3A_488 = tpu.memref_slice %arg10[%mul3A_487, %dma_wait3A] : memref<256x32xi32, #tpu.memory_space<vmem>> -> memref<64x32xi32, #tpu.memory_space<vmem>>
        %dma_wait3A_489 = tpu.memref_slice %arg6[%add3A_341, %mul3A_485] : memref<128x200xi32, #tpu.memory_space<vmem>> -> memref<1x64xi32, #tpu.memory_space<vmem>>
        %dma_wait3A_490 = tpu.memref_squeeze %dma_wait3A_489 : memref<1x64xi32, #tpu.memory_space<vmem>> -> memref<64xi32, #tpu.memory_space<vmem>>
        %dma_wait3A_491 = arith.constant 0 : i32
        %dma_wait3A_492 = arith.constant 0 : i32
        %dma_wait3A_493 = tpu.memref_slice %arg4[%dma_wait3A_491, %dma_wait3A_492] : memref<100000x32xi32, #tpu.memory_space<hbm>> -> memref<100000x32xi32, #tpu.memory_space<hbm>>
        tpu.wait_indirect_dma semaphore(%arg12 : memref<!tpu.dma_semaphore, #tpu.memory_space<semaphore_mem>>) src(%dma_wait3A_493 : memref<100000x32xi32, #tpu.memory_space<hbm>>) dst(%dma_wait3A_488 : memref<64x32xi32, #tpu.memory_space<vmem>>)
      }
      %while3A_390 = arith.constant 1 : i32
      scf.for %while3A_481 = %while3A_388 to %while3A_384 step %while3A_390  : i32 {
        %mul3A_482 = arith.muli %while3A_481, %while3A_380 : i32
        %add3A_483 = arith.addi %while3A_381, %mul3A_482 : i32
        %mul3A_484 = arith.constant 64 : i32
        %mul3A_485 = arith.muli %add3A_483, %mul3A_484 : i32
        %mul3A_486 = arith.constant 64 : i32
        %mul3A_487 = arith.muli %add3A_483, %mul3A_486 : i32
        %dma_wait3A = arith.constant 0 : i32
        %dma_wait3A_488 = tpu.memref_slice %arg10[%mul3A_487, %dma_wait3A] : memref<256x32xi32, #tpu.memory_space<vmem>> -> memref<64x32xi32, #tpu.memory_space<vmem>>
        %dma_wait3A_489 = tpu.memref_slice %arg6[%add3A_341, %mul3A_485] : memref<128x200xi32, #tpu.memory_space<vmem>> -> memref<1x64xi32, #tpu.memory_space<vmem>>
        %dma_wait3A_490 = tpu.memref_squeeze %dma_wait3A_489 : memref<1x64xi32, #tpu.memory_space<vmem>> -> memref<64xi32, #tpu.memory_space<vmem>>
        %dma_wait3A_491 = arith.constant 0 : i32
        %dma_wait3A_492 = arith.constant 0 : i32
        %dma_wait3A_493 = tpu.memref_slice %arg4[%dma_wait3A_491, %dma_wait3A_492] : memref<100000x32xi32, #tpu.memory_space<hbm>> -> memref<100000x32xi32, #tpu.memory_space<hbm>>
        tpu.wait_indirect_dma semaphore(%arg12 : memref<!tpu.dma_semaphore, #tpu.memory_space<semaphore_mem>>) src(%dma_wait3A_493 : memref<100000x32xi32, #tpu.memory_space<hbm>>) dst(%dma_wait3A_488 : memref<64x32xi32, #tpu.memory_space<vmem>>)
      }
      %add3A_391 = arith.constant 1 : i32
      %add3A_392 = arith.addi %add3A_97, %add3A_391 : i32
      %get3A_393 = arith.index_cast %add3A_392 : i32 to index
      %get3A_394 = tpu.vector_load %arg7[%get3A_393] {strides = array<i32>} : memref<144xi32, #tpu.memory_space<vmem>>, vector<16xi32>,
      %slice3A_395 = vector.extract_strided_slice %get3A_394 {offsets = [0], sizes = [1], strides = [1]} : vector<16xi32> to vector<1xi32>
      %squeeze3A_396 = vector.extract %slice3A_395[0] : i32 from vector<1xi32>
      %broadcast_in_dim3A_397 = arith.constant 0.000000e+00 : f32
      %broadcast_in_dim3A_398 = vector.broadcast %broadcast_in_dim3A_397 : f32 to vector<16xf32>
      %jit3A_399 = arith.constant 2 : i32
      %div3A_400 = arith.divsi %squeeze3A_396, %jit3A_399 : i32
      %sign3A_401 = arith.constant 0 : i32
      %sign3A_402 = arith.cmpi sgt, %squeeze3A_396, %sign3A_401 : i32
      %sign3A_403 = arith.extui %sign3A_402 : i1 to i32
      %sign3A_404 = arith.constant 0 : i32
      %sign3A_405 = arith.cmpi slt, %squeeze3A_396, %sign3A_404 : i32
      %sign3A_406 = arith.extui %sign3A_405 : i1 to i32
      %sign3A_407 = arith.subi %sign3A_403, %sign3A_406 : i32
      %sign3A_408 = arith.constant 0 : i32
      %sign3A_409 = arith.cmpi sgt, %jit3A_399, %sign3A_408 : i32
      %sign3A_410 = arith.extui %sign3A_409 : i1 to i32
      %sign3A_411 = arith.constant 0 : i32
      %sign3A_412 = arith.cmpi slt, %jit3A_399, %sign3A_411 : i32
      %sign3A_413 = arith.extui %sign3A_412 : i1 to i32
      %sign3A_414 = arith.subi %sign3A_410, %sign3A_413 : i32
      %ne3A_415 = arith.cmpi ne, %sign3A_407, %sign3A_414 : i32
      %rem3A_416 = arith.remsi %squeeze3A_396, %jit3A_399 : i32
      %ne3A_417 = arith.constant 0 : i32
      %ne3A_418 = arith.cmpi ne, %rem3A_416, %ne3A_417 : i32
      %and3A_419 = arith.andi %ne3A_415, %ne3A_418 : i1
      %sub3A_420 = arith.constant 1 : i32
      %sub3A_421 = arith.subi %div3A_400, %sub3A_420 : i32
      %select_n3A_422 = arith.select %and3A_419, %sub3A_421, %div3A_400 : i32
      %mul3A_423 = arith.constant 2 : i32
      %mul3A_424 = arith.muli %select_n3A_422, %mul3A_423 : i32
      %sub3A_425 = arith.constant 0 : i32
      %sub3A_426 = arith.subi %mul3A_424, %sub3A_425 : i32
      %sub3A_427 = arith.constant 2 : i32
      %sub3A_428 = arith.constant 1 : i32
      %sub3A_429 = arith.subi %sub3A_427, %sub3A_428 : i32
      %add3A_430 = arith.addi %sub3A_426, %sub3A_429 : i32
      %div3A_431 = arith.constant 2 : i32
      %div3A_432 = arith.divsi %add3A_430, %div3A_431 : i32
      %while3A_433 = arith.constant 2 : i32
      %while3A_434 = arith.constant 0 : i32
      %while3A_435 = arith.constant 0 : i32
      %while3A_436 = arith.subi %div3A_432, %while3A_435 : i32
      %while3A_437 = arith.addi %while3A_435, %while3A_436 : i32
      %while3A_438 = arith.constant 1 : i32
      %while3A_439 = arith.divsi %while3A_436, %while3A_438 : i32
      %while3A_440 = arith.muli %while3A_439, %while3A_438 : i32
      %while3A_441 = arith.addi %while3A_435, %while3A_440 : i32
      %while3A_442 = arith.constant 1 : i32
      %while3A_443:8 = scf.for %while3A_481 = %while3A_435 to %while3A_441 step %while3A_442 iter_args(%while3A_482 = %broadcast_in_dim3A_398, %while3A_483 = %broadcast_in_dim3A_398, %while3A_484 = %broadcast_in_dim3A_398, %while3A_485 = %broadcast_in_dim3A_398, %while3A_486 = %broadcast_in_dim3A_398, %while3A_487 = %broadcast_in_dim3A_398, %while3A_488 = %broadcast_in_dim3A_398, %while3A_489 = %broadcast_in_dim3A_398) -> (vector<16xf32>, vector<16xf32>, vector<16xf32>, vector<16xf32>, vector<16xf32>, vector<16xf32>, vector<16xf32>, vector<16xf32>)  : i32 {
        %mul3A_490 = arith.muli %while3A_481, %while3A_433 : i32
        %add3A_491 = arith.addi %while3A_434, %mul3A_490 : i32
        %get3A_492 = arith.index_cast %add3A_491 : i32 to index
        %get3A_493 = arith.constant 0 : index
        %get3A_494 = tpu.vector_load %arg10[%get3A_492, %get3A_493] {strides = array<i32>} : memref<256x32xi32, #tpu.memory_space<vmem>>, vector<16xi32>,
        %shift_left3A = arith.constant 16 : i32
        %shift_left3A_495 = vector.broadcast %shift_left3A : i32 to vector<16xi32>
        %shift_left3A_496 = arith.shli %get3A_494, %shift_left3A_495 : vector<16xi32>
        %bitcast3A = vector.bitcast %shift_left3A_496 : vector<16xi32> to vector<16xf32>
        %and3A_497 = arith.constant -65536 : i32
        %and3A_498 = vector.broadcast %and3A_497 : i32 to vector<16xi32>
        %and3A_499 = arith.andi %get3A_494, %and3A_498 : vector<16xi32>
        %bitcast3A_500 = vector.bitcast %and3A_499 : vector<16xi32> to vector<16xf32>
        %get3A_501 = arith.index_cast %add3A_491 : i32 to index
        %get3A_502 = arith.constant 16 : index
        %get3A_503 = tpu.vector_load %arg10[%get3A_501, %get3A_502] {strides = array<i32>} : memref<256x32xi32, #tpu.memory_space<vmem>>, vector<16xi32>,
        %shift_left3A_504 = arith.constant 16 : i32
        %shift_left3A_505 = vector.broadcast %shift_left3A_504 : i32 to vector<16xi32>
        %shift_left3A_506 = arith.shli %get3A_503, %shift_left3A_505 : vector<16xi32>
        %bitcast3A_507 = vector.bitcast %shift_left3A_506 : vector<16xi32> to vector<16xf32>
        %and3A_508 = arith.constant -65536 : i32
        %and3A_509 = vector.broadcast %and3A_508 : i32 to vector<16xi32>
        %and3A_510 = arith.andi %get3A_503, %and3A_509 : vector<16xi32>
        %bitcast3A_511 = vector.bitcast %and3A_510 : vector<16xi32> to vector<16xf32>
        %add3A_512 = arith.addf %while3A_482, %bitcast3A : vector<16xf32>
        %add3A_513 = arith.addf %while3A_483, %bitcast3A_507 : vector<16xf32>
        %add3A_514 = arith.addf %while3A_484, %bitcast3A_500 : vector<16xf32>
        %add3A_515 = arith.addf %while3A_485, %bitcast3A_511 : vector<16xf32>
        %add3A_516 = arith.constant 1 : i32
        %add3A_517 = arith.addi %add3A_491, %add3A_516 : i32
        %get3A_518 = arith.index_cast %add3A_517 : i32 to index
        %get3A_519 = arith.constant 0 : index
        %get3A_520 = tpu.vector_load %arg10[%get3A_518, %get3A_519] {strides = array<i32>} : memref<256x32xi32, #tpu.memory_space<vmem>>, vector<16xi32>,
        %shift_left3A_521 = arith.constant 16 : i32
        %shift_left3A_522 = vector.broadcast %shift_left3A_521 : i32 to vector<16xi32>
        %shift_left3A_523 = arith.shli %get3A_520, %shift_left3A_522 : vector<16xi32>
        %bitcast3A_524 = vector.bitcast %shift_left3A_523 : vector<16xi32> to vector<16xf32>
        %and3A_525 = arith.constant -65536 : i32
        %and3A_526 = vector.broadcast %and3A_525 : i32 to vector<16xi32>
        %and3A_527 = arith.andi %get3A_520, %and3A_526 : vector<16xi32>
        %bitcast3A_528 = vector.bitcast %and3A_527 : vector<16xi32> to vector<16xf32>
        %get3A_529 = arith.index_cast %add3A_517 : i32 to index
        %get3A_530 = arith.constant 16 : index
        %get3A_531 = tpu.vector_load %arg10[%get3A_529, %get3A_530] {strides = array<i32>} : memref<256x32xi32, #tpu.memory_space<vmem>>, vector<16xi32>,
        %shift_left3A_532 = arith.constant 16 : i32
        %shift_left3A_533 = vector.broadcast %shift_left3A_532 : i32 to vector<16xi32>
        %shift_left3A_534 = arith.shli %get3A_531, %shift_left3A_533 : vector<16xi32>
        %bitcast3A_535 = vector.bitcast %shift_left3A_534 : vector<16xi32> to vector<16xf32>
        %and3A_536 = arith.constant -65536 : i32
        %and3A_537 = vector.broadcast %and3A_536 : i32 to vector<16xi32>
        %and3A_538 = arith.andi %get3A_531, %and3A_537 : vector<16xi32>
        %bitcast3A_539 = vector.bitcast %and3A_538 : vector<16xi32> to vector<16xf32>
        %add3A_540 = arith.addf %while3A_486, %bitcast3A_524 : vector<16xf32>
        %add3A_541 = arith.addf %while3A_487, %bitcast3A_535 : vector<16xf32>
        %add3A_542 = arith.addf %while3A_488, %bitcast3A_528 : vector<16xf32>
        %add3A_543 = arith.addf %while3A_489, %bitcast3A_539 : vector<16xf32>
        scf.yield %add3A_512, %add3A_513, %add3A_514, %add3A_515, %add3A_540, %add3A_541, %add3A_542, %add3A_543 : vector<16xf32>, vector<16xf32>, vector<16xf32>, vector<16xf32>, vector<16xf32>, vector<16xf32>, vector<16xf32>, vector<16xf32>
      }
      %while3A_444 = arith.constant 1 : i32
      %while3A_445:8 = scf.for %while3A_481 = %while3A_441 to %while3A_437 step %while3A_444 iter_args(%while3A_482 = %while3A_443#0, %while3A_483 = %while3A_443#1, %while3A_484 = %while3A_443#2, %while3A_485 = %while3A_443#3, %while3A_486 = %while3A_443#4, %while3A_487 = %while3A_443#5, %while3A_488 = %while3A_443#6, %while3A_489 = %while3A_443#7) -> (vector<16xf32>, vector<16xf32>, vector<16xf32>, vector<16xf32>, vector<16xf32>, vector<16xf32>, vector<16xf32>, vector<16xf32>)  : i32 {
        %mul3A_490 = arith.muli %while3A_481, %while3A_433 : i32
        %add3A_491 = arith.addi %while3A_434, %mul3A_490 : i32
        %get3A_492 = arith.index_cast %add3A_491 : i32 to index
        %get3A_493 = arith.constant 0 : index
        %get3A_494 = tpu.vector_load %arg10[%get3A_492, %get3A_493] {strides = array<i32>} : memref<256x32xi32, #tpu.memory_space<vmem>>, vector<16xi32>,
        %shift_left3A = arith.constant 16 : i32
        %shift_left3A_495 = vector.broadcast %shift_left3A : i32 to vector<16xi32>
        %shift_left3A_496 = arith.shli %get3A_494, %shift_left3A_495 : vector<16xi32>
        %bitcast3A = vector.bitcast %shift_left3A_496 : vector<16xi32> to vector<16xf32>
        %and3A_497 = arith.constant -65536 : i32
        %and3A_498 = vector.broadcast %and3A_497 : i32 to vector<16xi32>
        %and3A_499 = arith.andi %get3A_494, %and3A_498 : vector<16xi32>
        %bitcast3A_500 = vector.bitcast %and3A_499 : vector<16xi32> to vector<16xf32>
        %get3A_501 = arith.index_cast %add3A_491 : i32 to index
        %get3A_502 = arith.constant 16 : index
        %get3A_503 = tpu.vector_load %arg10[%get3A_501, %get3A_502] {strides = array<i32>} : memref<256x32xi32, #tpu.memory_space<vmem>>, vector<16xi32>,
        %shift_left3A_504 = arith.constant 16 : i32
        %shift_left3A_505 = vector.broadcast %shift_left3A_504 : i32 to vector<16xi32>
        %shift_left3A_506 = arith.shli %get3A_503, %shift_left3A_505 : vector<16xi32>
        %bitcast3A_507 = vector.bitcast %shift_left3A_506 : vector<16xi32> to vector<16xf32>
        %and3A_508 = arith.constant -65536 : i32
        %and3A_509 = vector.broadcast %and3A_508 : i32 to vector<16xi32>
        %and3A_510 = arith.andi %get3A_503, %and3A_509 : vector<16xi32>
        %bitcast3A_511 = vector.bitcast %and3A_510 : vector<16xi32> to vector<16xf32>
        %add3A_512 = arith.addf %while3A_482, %bitcast3A : vector<16xf32>
        %add3A_513 = arith.addf %while3A_483, %bitcast3A_507 : vector<16xf32>
        %add3A_514 = arith.addf %while3A_484, %bitcast3A_500 : vector<16xf32>
        %add3A_515 = arith.addf %while3A_485, %bitcast3A_511 : vector<16xf32>
        %add3A_516 = arith.constant 1 : i32
        %add3A_517 = arith.addi %add3A_491, %add3A_516 : i32
        %get3A_518 = arith.index_cast %add3A_517 : i32 to index
        %get3A_519 = arith.constant 0 : index
        %get3A_520 = tpu.vector_load %arg10[%get3A_518, %get3A_519] {strides = array<i32>} : memref<256x32xi32, #tpu.memory_space<vmem>>, vector<16xi32>,
        %shift_left3A_521 = arith.constant 16 : i32
        %shift_left3A_522 = vector.broadcast %shift_left3A_521 : i32 to vector<16xi32>
        %shift_left3A_523 = arith.shli %get3A_520, %shift_left3A_522 : vector<16xi32>
        %bitcast3A_524 = vector.bitcast %shift_left3A_523 : vector<16xi32> to vector<16xf32>
        %and3A_525 = arith.constant -65536 : i32
        %and3A_526 = vector.broadcast %and3A_525 : i32 to vector<16xi32>
        %and3A_527 = arith.andi %get3A_520, %and3A_526 : vector<16xi32>
        %bitcast3A_528 = vector.bitcast %and3A_527 : vector<16xi32> to vector<16xf32>
        %get3A_529 = arith.index_cast %add3A_517 : i32 to index
        %get3A_530 = arith.constant 16 : index
        %get3A_531 = tpu.vector_load %arg10[%get3A_529, %get3A_530] {strides = array<i32>} : memref<256x32xi32, #tpu.memory_space<vmem>>, vector<16xi32>,
        %shift_left3A_532 = arith.constant 16 : i32
        %shift_left3A_533 = vector.broadcast %shift_left3A_532 : i32 to vector<16xi32>
        %shift_left3A_534 = arith.shli %get3A_531, %shift_left3A_533 : vector<16xi32>
        %bitcast3A_535 = vector.bitcast %shift_left3A_534 : vector<16xi32> to vector<16xf32>
        %and3A_536 = arith.constant -65536 : i32
        %and3A_537 = vector.broadcast %and3A_536 : i32 to vector<16xi32>
        %and3A_538 = arith.andi %get3A_531, %and3A_537 : vector<16xi32>
        %bitcast3A_539 = vector.bitcast %and3A_538 : vector<16xi32> to vector<16xf32>
        %add3A_540 = arith.addf %while3A_486, %bitcast3A_524 : vector<16xf32>
        %add3A_541 = arith.addf %while3A_487, %bitcast3A_535 : vector<16xf32>
        %add3A_542 = arith.addf %while3A_488, %bitcast3A_528 : vector<16xf32>
        %add3A_543 = arith.addf %while3A_489, %bitcast3A_539 : vector<16xf32>
        scf.yield %add3A_512, %add3A_513, %add3A_514, %add3A_515, %add3A_540, %add3A_541, %add3A_542, %add3A_543 : vector<16xf32>, vector<16xf32>, vector<16xf32>, vector<16xf32>, vector<16xf32>, vector<16xf32>, vector<16xf32>, vector<16xf32>
      }
      %sub3A_446 = arith.subi %squeeze3A_396, %mul3A_424 : i32
      %sub3A_447 = arith.constant 1 : i32
      %sub3A_448 = arith.constant 1 : i32
      %sub3A_449 = arith.subi %sub3A_447, %sub3A_448 : i32
      %add3A_450 = arith.addi %sub3A_446, %sub3A_449 : i32
      %div3A_451 = arith.constant 1 : i32
      %div3A_452 = arith.divsi %add3A_450, %div3A_451 : i32
      %while3A_453 = arith.constant 1 : i32
      %while3A_454 = arith.constant 0 : i32
      %while3A_455 = arith.subi %div3A_452, %while3A_454 : i32
      %while3A_456 = arith.addi %while3A_454, %while3A_455 : i32
      %while3A_457 = arith.constant 1 : i32
      %while3A_458 = arith.divsi %while3A_455, %while3A_457 : i32
      %while3A_459 = arith.muli %while3A_458, %while3A_457 : i32
      %while3A_460 = arith.addi %while3A_454, %while3A_459 : i32
      %while3A_461 = arith.constant 1 : i32
      %while3A_462:4 = scf.for %while3A_481 = %while3A_454 to %while3A_460 step %while3A_461 iter_args(%while3A_482 = %while3A_445#0, %while3A_483 = %while3A_445#1, %while3A_484 = %while3A_445#2, %while3A_485 = %while3A_445#3) -> (vector<16xf32>, vector<16xf32>, vector<16xf32>, vector<16xf32>)  : i32 {
        %mul3A_486 = arith.muli %while3A_481, %while3A_453 : i32
        %add3A_487 = arith.addi %mul3A_424, %mul3A_486 : i32
        %get3A_488 = arith.index_cast %add3A_487 : i32 to index
        %get3A_489 = arith.constant 0 : index
        %get3A_490 = tpu.vector_load %arg10[%get3A_488, %get3A_489] {strides = array<i32>} : memref<256x32xi32, #tpu.memory_space<vmem>>, vector<16xi32>,
        %shift_left3A = arith.constant 16 : i32
        %shift_left3A_491 = vector.broadcast %shift_left3A : i32 to vector<16xi32>
        %shift_left3A_492 = arith.shli %get3A_490, %shift_left3A_491 : vector<16xi32>
        %bitcast3A = vector.bitcast %shift_left3A_492 : vector<16xi32> to vector<16xf32>
        %and3A_493 = arith.constant -65536 : i32
        %and3A_494 = vector.broadcast %and3A_493 : i32 to vector<16xi32>
        %and3A_495 = arith.andi %get3A_490, %and3A_494 : vector<16xi32>
        %bitcast3A_496 = vector.bitcast %and3A_495 : vector<16xi32> to vector<16xf32>
        %get3A_497 = arith.index_cast %add3A_487 : i32 to index
        %get3A_498 = arith.constant 16 : index
        %get3A_499 = tpu.vector_load %arg10[%get3A_497, %get3A_498] {strides = array<i32>} : memref<256x32xi32, #tpu.memory_space<vmem>>, vector<16xi32>,
        %shift_left3A_500 = arith.constant 16 : i32
        %shift_left3A_501 = vector.broadcast %shift_left3A_500 : i32 to vector<16xi32>
        %shift_left3A_502 = arith.shli %get3A_499, %shift_left3A_501 : vector<16xi32>
        %bitcast3A_503 = vector.bitcast %shift_left3A_502 : vector<16xi32> to vector<16xf32>
        %and3A_504 = arith.constant -65536 : i32
        %and3A_505 = vector.broadcast %and3A_504 : i32 to vector<16xi32>
        %and3A_506 = arith.andi %get3A_499, %and3A_505 : vector<16xi32>
        %bitcast3A_507 = vector.bitcast %and3A_506 : vector<16xi32> to vector<16xf32>
        %add3A_508 = arith.addf %while3A_482, %bitcast3A : vector<16xf32>
        %add3A_509 = arith.addf %while3A_483, %bitcast3A_503 : vector<16xf32>
        %add3A_510 = arith.addf %while3A_484, %bitcast3A_496 : vector<16xf32>
        %add3A_511 = arith.addf %while3A_485, %bitcast3A_507 : vector<16xf32>
        scf.yield %add3A_508, %add3A_509, %add3A_510, %add3A_511 : vector<16xf32>, vector<16xf32>, vector<16xf32>, vector<16xf32>
      }
      %while3A_463 = arith.constant 1 : i32
      %while3A_464:4 = scf.for %while3A_481 = %while3A_460 to %while3A_456 step %while3A_463 iter_args(%while3A_482 = %while3A_462#0, %while3A_483 = %while3A_462#1, %while3A_484 = %while3A_462#2, %while3A_485 = %while3A_462#3) -> (vector<16xf32>, vector<16xf32>, vector<16xf32>, vector<16xf32>)  : i32 {
        %mul3A_486 = arith.muli %while3A_481, %while3A_453 : i32
        %add3A_487 = arith.addi %mul3A_424, %mul3A_486 : i32
        %get3A_488 = arith.index_cast %add3A_487 : i32 to index
        %get3A_489 = arith.constant 0 : index
        %get3A_490 = tpu.vector_load %arg10[%get3A_488, %get3A_489] {strides = array<i32>} : memref<256x32xi32, #tpu.memory_space<vmem>>, vector<16xi32>,
        %shift_left3A = arith.constant 16 : i32
        %shift_left3A_491 = vector.broadcast %shift_left3A : i32 to vector<16xi32>
        %shift_left3A_492 = arith.shli %get3A_490, %shift_left3A_491 : vector<16xi32>
        %bitcast3A = vector.bitcast %shift_left3A_492 : vector<16xi32> to vector<16xf32>
        %and3A_493 = arith.constant -65536 : i32
        %and3A_494 = vector.broadcast %and3A_493 : i32 to vector<16xi32>
        %and3A_495 = arith.andi %get3A_490, %and3A_494 : vector<16xi32>
        %bitcast3A_496 = vector.bitcast %and3A_495 : vector<16xi32> to vector<16xf32>
        %get3A_497 = arith.index_cast %add3A_487 : i32 to index
        %get3A_498 = arith.constant 16 : index
        %get3A_499 = tpu.vector_load %arg10[%get3A_497, %get3A_498] {strides = array<i32>} : memref<256x32xi32, #tpu.memory_space<vmem>>, vector<16xi32>,
        %shift_left3A_500 = arith.constant 16 : i32
        %shift_left3A_501 = vector.broadcast %shift_left3A_500 : i32 to vector<16xi32>
        %shift_left3A_502 = arith.shli %get3A_499, %shift_left3A_501 : vector<16xi32>
        %bitcast3A_503 = vector.bitcast %shift_left3A_502 : vector<16xi32> to vector<16xf32>
        %and3A_504 = arith.constant -65536 : i32
        %and3A_505 = vector.broadcast %and3A_504 : i32 to vector<16xi32>
        %and3A_506 = arith.andi %get3A_499, %and3A_505 : vector<16xi32>
        %bitcast3A_507 = vector.bitcast %and3A_506 : vector<16xi32> to vector<16xf32>
        %add3A_508 = arith.addf %while3A_482, %bitcast3A : vector<16xf32>
        %add3A_509 = arith.addf %while3A_483, %bitcast3A_503 : vector<16xf32>
        %add3A_510 = arith.addf %while3A_484, %bitcast3A_496 : vector<16xf32>
        %add3A_511 = arith.addf %while3A_485, %bitcast3A_507 : vector<16xf32>
        scf.yield %add3A_508, %add3A_509, %add3A_510, %add3A_511 : vector<16xf32>, vector<16xf32>, vector<16xf32>, vector<16xf32>
      }
      %add3A_465 = arith.addf %while3A_464#0, %while3A_445#4 : vector<16xf32>
      %swap3A_466 = arith.index_cast %add3A_392 : i32 to index
      %swap3A_467 = arith.constant 0 : index
      %swap3A_468 = tpu.vector_load %arg8[%swap3A_466, %swap3A_467] {strides = array<i32>} : memref<128x64xf32, #tpu.memory_space<vmem>>, vector<16xf32>,
      tpu.vector_store %arg8[%swap3A_466, %swap3A_467], %add3A_465 {strides = array<i32>} : memref<128x64xf32, #tpu.memory_space<vmem>>, vector<16xf32>,
      %add3A_469 = arith.addf %while3A_464#1, %while3A_445#5 : vector<16xf32>
      %swap3A_470 = arith.index_cast %add3A_392 : i32 to index
      %swap3A_471 = arith.constant 16 : index
      %swap3A_472 = tpu.vector_load %arg8[%swap3A_470, %swap3A_471] {strides = array<i32>} : memref<128x64xf32, #tpu.memory_space<vmem>>, vector<16xf32>,
      tpu.vector_store %arg8[%swap3A_470, %swap3A_471], %add3A_469 {strides = array<i32>} : memref<128x64xf32, #tpu.memory_space<vmem>>, vector<16xf32>,
      %add3A_473 = arith.addf %while3A_464#2, %while3A_445#6 : vector<16xf32>
      %swap3A_474 = arith.index_cast %add3A_392 : i32 to index
      %swap3A_475 = arith.constant 32 : index
      %swap3A_476 = tpu.vector_load %arg8[%swap3A_474, %swap3A_475] {strides = array<i32>} : memref<128x64xf32, #tpu.memory_space<vmem>>, vector<16xf32>,
      tpu.vector_store %arg8[%swap3A_474, %swap3A_475], %add3A_473 {strides = array<i32>} : memref<128x64xf32, #tpu.memory_space<vmem>>, vector<16xf32>,
      %add3A_477 = arith.addf %while3A_464#3, %while3A_445#7 : vector<16xf32>
      %swap3A_478 = arith.index_cast %add3A_392 : i32 to index
      %swap3A_479 = arith.constant 48 : index
      %swap3A_480 = tpu.vector_load %arg8[%swap3A_478, %swap3A_479] {strides = array<i32>} : memref<128x64xf32, #tpu.memory_space<vmem>>, vector<16xf32>,
      tpu.vector_store %arg8[%swap3A_478, %swap3A_479], %add3A_477 {strides = array<i32>} : memref<128x64xf32, #tpu.memory_space<vmem>>, vector<16xf32>,
    }
    %scan3A_43 = arith.constant 64 : i32
    %get3A_44 = arith.constant 0 : index
    %get3A_45 = tpu.vector_load %arg7[%get3A_44] {strides = array<i32>} : memref<144xi32, #tpu.memory_space<vmem>>, vector<16xi32>,
    %slice3A_46 = vector.extract_strided_slice %get3A_45 {offsets = [0], sizes = [1], strides = [1]} : vector<16xi32> to vector<1xi32>
    %squeeze3A_47 = vector.extract %slice3A_46[0] : i32 from vector<1xi32>
    %add3A_48 = arith.constant 63 : i32
    %add3A_49 = arith.addi %squeeze3A_47, %add3A_48 : i32
    %jit3A_50 = arith.constant 64 : i32
    %div3A_51 = arith.divsi %add3A_49, %jit3A_50 : i32
    %sign3A_52 = arith.constant 0 : i32
    %sign3A_53 = arith.cmpi sgt, %add3A_49, %sign3A_52 : i32
    %sign3A_54 = arith.extui %sign3A_53 : i1 to i32
    %sign3A_55 = arith.constant 0 : i32
    %sign3A_56 = arith.cmpi slt, %add3A_49, %sign3A_55 : i32
    %sign3A_57 = arith.extui %sign3A_56 : i1 to i32
    %sign3A_58 = arith.subi %sign3A_54, %sign3A_57 : i32
    %sign3A_59 = arith.constant 0 : i32
    %sign3A_60 = arith.cmpi sgt, %jit3A_50, %sign3A_59 : i32
    %sign3A_61 = arith.extui %sign3A_60 : i1 to i32
    %sign3A_62 = arith.constant 0 : i32
    %sign3A_63 = arith.cmpi slt, %jit3A_50, %sign3A_62 : i32
    %sign3A_64 = arith.extui %sign3A_63 : i1 to i32
    %sign3A_65 = arith.subi %sign3A_61, %sign3A_64 : i32
    %ne3A_66 = arith.cmpi ne, %sign3A_58, %sign3A_65 : i32
    %rem3A_67 = arith.remsi %add3A_49, %jit3A_50 : i32
    %ne3A_68 = arith.constant 0 : i32
    %ne3A_69 = arith.cmpi ne, %rem3A_67, %ne3A_68 : i32
    %and3A_70 = arith.andi %ne3A_66, %ne3A_69 : i1
    %sub3A_71 = arith.constant 1 : i32
    %sub3A_72 = arith.subi %div3A_51, %sub3A_71 : i32
    %select_n3A_73 = arith.select %and3A_70, %sub3A_72, %div3A_51 : i32
    %sub3A_74 = arith.constant 0 : i32
    %sub3A_75 = arith.subi %select_n3A_73, %sub3A_74 : i32
    %sub3A_76 = arith.constant 1 : i32
    %sub3A_77 = arith.constant 1 : i32
    %sub3A_78 = arith.subi %sub3A_76, %sub3A_77 : i32
    %add3A_79 = arith.addi %sub3A_75, %sub3A_78 : i32
    %div3A_80 = arith.constant 1 : i32
    %div3A_81 = arith.divsi %add3A_79, %div3A_80 : i32
    %while3A_82 = arith.constant 1 : i32
    %while3A_83 = arith.constant 0 : i32
    %while3A_84 = arith.constant 0 : i32
    %while3A_85 = arith.subi %div3A_81, %while3A_84 : i32
    %while3A_86 = arith.addi %while3A_84, %while3A_85 : i32
    %while3A_87 = arith.constant 1 : i32
    %while3A_88 = arith.divsi %while3A_85, %while3A_87 : i32
    %while3A_89 = arith.muli %while3A_88, %while3A_87 : i32
    %while3A_90 = arith.addi %while3A_84, %while3A_89 : i32
    %while3A_91 = arith.constant 1 : i32
    scf.for %while3A_93 = %while3A_84 to %while3A_90 step %while3A_91  : i32 {
      %mul3A_94 = arith.muli %while3A_93, %while3A_82 : i32
      %add3A_95 = arith.addi %while3A_83, %mul3A_94 : i32
      %mul3A_96 = arith.constant 64 : i32
      %mul3A_97 = arith.muli %add3A_95, %mul3A_96 : i32
      %mul3A_98 = arith.constant 64 : i32
      %mul3A_99 = arith.muli %add3A_95, %mul3A_98 : i32
      %dma_wait3A = arith.constant 0 : i32
      %dma_wait3A_100 = arith.constant 0 : i32
      %dma_wait3A_101 = tpu.memref_slice %arg9[%mul3A_99, %dma_wait3A_100] : memref<256x32xi32, #tpu.memory_space<vmem>> -> memref<64x32xi32, #tpu.memory_space<vmem>>
      %dma_wait3A_102 = tpu.memref_slice %arg6[%dma_wait3A, %mul3A_97] : memref<128x200xi32, #tpu.memory_space<vmem>> -> memref<1x64xi32, #tpu.memory_space<vmem>>
      %dma_wait3A_103 = tpu.memref_squeeze %dma_wait3A_102 : memref<1x64xi32, #tpu.memory_space<vmem>> -> memref<64xi32, #tpu.memory_space<vmem>>
      %dma_wait3A_104 = arith.constant 0 : i32
      %dma_wait3A_105 = arith.constant 0 : i32
      %dma_wait3A_106 = tpu.memref_slice %arg4[%dma_wait3A_104, %dma_wait3A_105] : memref<100000x32xi32, #tpu.memory_space<hbm>> -> memref<100000x32xi32, #tpu.memory_space<hbm>>
      tpu.wait_indirect_dma semaphore(%arg11 : memref<!tpu.dma_semaphore, #tpu.memory_space<semaphore_mem>>) src(%dma_wait3A_106 : memref<100000x32xi32, #tpu.memory_space<hbm>>) dst(%dma_wait3A_101 : memref<64x32xi32, #tpu.memory_space<vmem>>)
    }
    %while3A_92 = arith.constant 1 : i32
    scf.for %while3A_93 = %while3A_90 to %while3A_86 step %while3A_92  : i32 {
      %mul3A_94 = arith.muli %while3A_93, %while3A_82 : i32
      %add3A_95 = arith.addi %while3A_83, %mul3A_94 : i32
      %mul3A_96 = arith.constant 64 : i32
      %mul3A_97 = arith.muli %add3A_95, %mul3A_96 : i32
      %mul3A_98 = arith.constant 64 : i32
      %mul3A_99 = arith.muli %add3A_95, %mul3A_98 : i32
      %dma_wait3A = arith.constant 0 : i32
      %dma_wait3A_100 = arith.constant 0 : i32
      %dma_wait3A_101 = tpu.memref_slice %arg9[%mul3A_99, %dma_wait3A_100] : memref<256x32xi32, #tpu.memory_space<vmem>> -> memref<64x32xi32, #tpu.memory_space<vmem>>
      %dma_wait3A_102 = tpu.memref_slice %arg6[%dma_wait3A, %mul3A_97] : memref<128x200xi32, #tpu.memory_space<vmem>> -> memref<1x64xi32, #tpu.memory_space<vmem>>
      %dma_wait3A_103 = tpu.memref_squeeze %dma_wait3A_102 : memref<1x64xi32, #tpu.memory_space<vmem>> -> memref<64xi32, #tpu.memory_space<vmem>>
      %dma_wait3A_104 = arith.constant 0 : i32
      %dma_wait3A_105 = arith.constant 0 : i32
      %dma_wait3A_106 = tpu.memref_slice %arg4[%dma_wait3A_104, %dma_wait3A_105] : memref<100000x32xi32, #tpu.memory_space<hbm>> -> memref<100000x32xi32, #tpu.memory_space<hbm>>
      tpu.wait_indirect_dma semaphore(%arg11 : memref<!tpu.dma_semaphore, #tpu.memory_space<semaphore_mem>>) src(%dma_wait3A_106 : memref<100000x32xi32, #tpu.memory_space<hbm>>) dst(%dma_wait3A_101 : memref<64x32xi32, #tpu.memory_space<vmem>>)
    }
    "tpu.region"() ({
      %run_scoped3A = tpu.sem_alloc : memref<!tpu.dma_semaphore, #tpu.memory_space<semaphore_mem>>
      %dma_start3A = arith.constant 0 : i32
      %dma_start3A_93 = tpu.memref_slice %arg5[%mul3A_2, %dma_start3A] : memref<4096x64xf32, #tpu.memory_space<hbm>> -> memref<128x64xf32, #tpu.memory_space<hbm>>
      %dma_start3A_94 = arith.constant 0 : i32
      %dma_start3A_95 = tpu.memref_slice %arg5[%mul3A_2, %dma_start3A_94] : memref<4096x64xf32, #tpu.memory_space<hbm>> -> memref<128x64xf32, #tpu.memory_space<hbm>>
      tpu.enqueue_dma source(%arg8 : memref<128x64xf32, #tpu.memory_space<vmem>>) target(%dma_start3A_95 : memref<128x64xf32, #tpu.memory_space<hbm>>) target_semaphore(%run_scoped3A : memref<!tpu.dma_semaphore, #tpu.memory_space<semaphore_mem>>)
      %dma_wait3A = arith.constant 0 : i32
      %dma_wait3A_96 = tpu.memref_slice %arg5[%mul3A_2, %dma_wait3A] : memref<4096x64xf32, #tpu.memory_space<hbm>> -> memref<128x64xf32, #tpu.memory_space<hbm>>
      %dma_wait3A_97 = arith.constant 0 : i32
      %dma_wait3A_98 = tpu.memref_slice %arg5[%mul3A_2, %dma_wait3A_97] : memref<4096x64xf32, #tpu.memory_space<hbm>> -> memref<128x64xf32, #tpu.memory_space<hbm>>
      tpu.wait_dma2 semaphore(%run_scoped3A : memref<!tpu.dma_semaphore, #tpu.memory_space<semaphore_mem>>) src(%arg8 : memref<128x64xf32, #tpu.memory_space<vmem>>) dst(%dma_wait3A_98 : memref<128x64xf32, #tpu.memory_space<hbm>>)
      tpu.yield
    }) : () -> ()
    return
  }
}

module attributes {stable_mosaic.version = 14 : i64} {
  func.func @_pack_body(%arg0: i32, %arg1: memref<200x50xf32, #tpu.memory_space<vmem>>, %arg2: memref<200x50xf32, #tpu.memory_space<vmem>>, %arg3: memref<200x50xf32, #tpu.memory_space<vmem>>, %arg4: memref<200x50xf32, #tpu.memory_space<vmem>>, %arg5: memref<200x128xi32, #tpu.memory_space<vmem>>) attributes {dimension_semantics = [#tpu.dimension_semantics<arbitrary>], iteration_bounds = array<i64: 125>, scalar_prefetch = 0 : i64, scratch_operands = 0 : i64, tpu.core_type = #tpu.core_type<tc>, window_params = [{transform_indices = @transform_0, window_bounds = array<i64: 200, 50>}, {transform_indices = @transform_1, window_bounds = array<i64: 200, 50>}, {transform_indices = @transform_2, window_bounds = array<i64: 200, 50>}, {transform_indices = @transform_3, window_bounds = array<i64: 200, 50>}, {transform_indices = @transform_4, window_bounds = array<i64: 200, 128>}]} {
    %get3A = arith.constant 0 : index
    %get3A_0 = arith.constant 0 : index
    %get3A_1 = vector.load %arg1[%get3A, %get3A_0] : memref<200x50xf32, #tpu.memory_space<vmem>>, vector<200x50xf32>
    %jit3A = arith.constant 0 : i32
    %convert_element_type3A = arith.sitofp %jit3A : i32 to f32
    %pad3A = vector.broadcast %convert_element_type3A : f32 to vector<200x14xf32>
    %pad3A_2 = tpu.concatenate %get3A_1, %pad3A in 1 : vector<200x50xf32>, vector<200x14xf32> -> vector<200x64xf32>
    %bitcast_convert_type3A = tpu.bitcast %pad3A_2 : vector<200x64xf32> -> vector<200x64xi32>
    %slice3A = vector.extract_strided_slice %bitcast_convert_type3A {offsets = [0, 0], sizes = [200, 32], strides = [1, 1]} : vector<200x64xi32> to vector<200x32xi32>
    %shift_right_logical3A = arith.constant 16 : i32
    %shift_right_logical3A_3 = vector.broadcast %shift_right_logical3A : i32 to vector<200x32xi32>
    %shift_right_logical3A_4 = arith.shrui %slice3A, %shift_right_logical3A_3 : vector<200x32xi32>
    %and3A = arith.constant 1 : i32
    %and3A_5 = vector.broadcast %and3A : i32 to vector<200x32xi32>
    %and3A_6 = arith.andi %shift_right_logical3A_4, %and3A_5 : vector<200x32xi32>
    %add3A = arith.constant 32767 : i32
    %add3A_7 = vector.broadcast %add3A : i32 to vector<200x32xi32>
    %add3A_8 = arith.addi %add3A_7, %and3A_6 : vector<200x32xi32>
    %add3A_9 = arith.addi %slice3A, %add3A_8 : vector<200x32xi32>
    %slice3A_10 = vector.extract_strided_slice %bitcast_convert_type3A {offsets = [0, 32], sizes = [200, 32], strides = [1, 1]} : vector<200x64xi32> to vector<200x32xi32>
    %shift_right_logical3A_11 = arith.constant 16 : i32
    %shift_right_logical3A_12 = vector.broadcast %shift_right_logical3A_11 : i32 to vector<200x32xi32>
    %shift_right_logical3A_13 = arith.shrui %slice3A_10, %shift_right_logical3A_12 : vector<200x32xi32>
    %and3A_14 = arith.constant 1 : i32
    %and3A_15 = vector.broadcast %and3A_14 : i32 to vector<200x32xi32>
    %and3A_16 = arith.andi %shift_right_logical3A_13, %and3A_15 : vector<200x32xi32>
    %add3A_17 = arith.constant 32767 : i32
    %add3A_18 = vector.broadcast %add3A_17 : i32 to vector<200x32xi32>
    %add3A_19 = arith.addi %add3A_18, %and3A_16 : vector<200x32xi32>
    %add3A_20 = arith.addi %slice3A_10, %add3A_19 : vector<200x32xi32>
    %and3A_21 = arith.constant -65536 : i32
    %and3A_22 = vector.broadcast %and3A_21 : i32 to vector<200x32xi32>
    %and3A_23 = arith.andi %add3A_20, %and3A_22 : vector<200x32xi32>
    %shift_right_logical3A_24 = arith.constant 16 : i32
    %shift_right_logical3A_25 = vector.broadcast %shift_right_logical3A_24 : i32 to vector<200x32xi32>
    %shift_right_logical3A_26 = arith.shrui %add3A_9, %shift_right_logical3A_25 : vector<200x32xi32>
    %or3A = arith.ori %and3A_23, %shift_right_logical3A_26 : vector<200x32xi32>
    %swap3A = arith.constant 0 : index
    %swap3A_27 = arith.constant 0 : index
    %swap3A_28 = vector.load %arg5[%swap3A, %swap3A_27] : memref<200x128xi32, #tpu.memory_space<vmem>>, vector<200x32xi32>
    tpu.vector_store %arg5[%swap3A, %swap3A_27], %or3A {strides = array<i32>} : memref<200x128xi32, #tpu.memory_space<vmem>>, vector<200x32xi32>,
    %get3A_29 = arith.constant 0 : index
    %get3A_30 = arith.constant 0 : index
    %get3A_31 = vector.load %arg2[%get3A_29, %get3A_30] : memref<200x50xf32, #tpu.memory_space<vmem>>, vector<200x50xf32>
    %jit3A_32 = arith.constant 0 : i32
    %convert_element_type3A_33 = arith.sitofp %jit3A_32 : i32 to f32
    %pad3A_34 = vector.broadcast %convert_element_type3A_33 : f32 to vector<200x14xf32>
    %pad3A_35 = tpu.concatenate %get3A_31, %pad3A_34 in 1 : vector<200x50xf32>, vector<200x14xf32> -> vector<200x64xf32>
    %bitcast_convert_type3A_36 = tpu.bitcast %pad3A_35 : vector<200x64xf32> -> vector<200x64xi32>
    %slice3A_37 = vector.extract_strided_slice %bitcast_convert_type3A_36 {offsets = [0, 0], sizes = [200, 32], strides = [1, 1]} : vector<200x64xi32> to vector<200x32xi32>
    %shift_right_logical3A_38 = arith.constant 16 : i32
    %shift_right_logical3A_39 = vector.broadcast %shift_right_logical3A_38 : i32 to vector<200x32xi32>
    %shift_right_logical3A_40 = arith.shrui %slice3A_37, %shift_right_logical3A_39 : vector<200x32xi32>
    %and3A_41 = arith.constant 1 : i32
    %and3A_42 = vector.broadcast %and3A_41 : i32 to vector<200x32xi32>
    %and3A_43 = arith.andi %shift_right_logical3A_40, %and3A_42 : vector<200x32xi32>
    %add3A_44 = arith.constant 32767 : i32
    %add3A_45 = vector.broadcast %add3A_44 : i32 to vector<200x32xi32>
    %add3A_46 = arith.addi %add3A_45, %and3A_43 : vector<200x32xi32>
    %add3A_47 = arith.addi %slice3A_37, %add3A_46 : vector<200x32xi32>
    %slice3A_48 = vector.extract_strided_slice %bitcast_convert_type3A_36 {offsets = [0, 32], sizes = [200, 32], strides = [1, 1]} : vector<200x64xi32> to vector<200x32xi32>
    %shift_right_logical3A_49 = arith.constant 16 : i32
    %shift_right_logical3A_50 = vector.broadcast %shift_right_logical3A_49 : i32 to vector<200x32xi32>
    %shift_right_logical3A_51 = arith.shrui %slice3A_48, %shift_right_logical3A_50 : vector<200x32xi32>
    %and3A_52 = arith.constant 1 : i32
    %and3A_53 = vector.broadcast %and3A_52 : i32 to vector<200x32xi32>
    %and3A_54 = arith.andi %shift_right_logical3A_51, %and3A_53 : vector<200x32xi32>
    %add3A_55 = arith.constant 32767 : i32
    %add3A_56 = vector.broadcast %add3A_55 : i32 to vector<200x32xi32>
    %add3A_57 = arith.addi %add3A_56, %and3A_54 : vector<200x32xi32>
    %add3A_58 = arith.addi %slice3A_48, %add3A_57 : vector<200x32xi32>
    %and3A_59 = arith.constant -65536 : i32
    %and3A_60 = vector.broadcast %and3A_59 : i32 to vector<200x32xi32>
    %and3A_61 = arith.andi %add3A_58, %and3A_60 : vector<200x32xi32>
    %shift_right_logical3A_62 = arith.constant 16 : i32
    %shift_right_logical3A_63 = vector.broadcast %shift_right_logical3A_62 : i32 to vector<200x32xi32>
    %shift_right_logical3A_64 = arith.shrui %add3A_47, %shift_right_logical3A_63 : vector<200x32xi32>
    %or3A_65 = arith.ori %and3A_61, %shift_right_logical3A_64 : vector<200x32xi32>
    %swap3A_66 = arith.constant 0 : index
    %swap3A_67 = arith.constant 32 : index
    %swap3A_68 = vector.load %arg5[%swap3A_66, %swap3A_67] : memref<200x128xi32, #tpu.memory_space<vmem>>, vector<200x32xi32>
    tpu.vector_store %arg5[%swap3A_66, %swap3A_67], %or3A_65 {strides = array<i32>} : memref<200x128xi32, #tpu.memory_space<vmem>>, vector<200x32xi32>,
    %get3A_69 = arith.constant 0 : index
    %get3A_70 = arith.constant 0 : index
    %get3A_71 = vector.load %arg3[%get3A_69, %get3A_70] : memref<200x50xf32, #tpu.memory_space<vmem>>, vector<200x50xf32>
    %jit3A_72 = arith.constant 0 : i32
    %convert_element_type3A_73 = arith.sitofp %jit3A_72 : i32 to f32
    %pad3A_74 = vector.broadcast %convert_element_type3A_73 : f32 to vector<200x14xf32>
    %pad3A_75 = tpu.concatenate %get3A_71, %pad3A_74 in 1 : vector<200x50xf32>, vector<200x14xf32> -> vector<200x64xf32>
    %bitcast_convert_type3A_76 = tpu.bitcast %pad3A_75 : vector<200x64xf32> -> vector<200x64xi32>
    %slice3A_77 = vector.extract_strided_slice %bitcast_convert_type3A_76 {offsets = [0, 0], sizes = [200, 32], strides = [1, 1]} : vector<200x64xi32> to vector<200x32xi32>
    %shift_right_logical3A_78 = arith.constant 16 : i32
    %shift_right_logical3A_79 = vector.broadcast %shift_right_logical3A_78 : i32 to vector<200x32xi32>
    %shift_right_logical3A_80 = arith.shrui %slice3A_77, %shift_right_logical3A_79 : vector<200x32xi32>
    %and3A_81 = arith.constant 1 : i32
    %and3A_82 = vector.broadcast %and3A_81 : i32 to vector<200x32xi32>
    %and3A_83 = arith.andi %shift_right_logical3A_80, %and3A_82 : vector<200x32xi32>
    %add3A_84 = arith.constant 32767 : i32
    %add3A_85 = vector.broadcast %add3A_84 : i32 to vector<200x32xi32>
    %add3A_86 = arith.addi %add3A_85, %and3A_83 : vector<200x32xi32>
    %add3A_87 = arith.addi %slice3A_77, %add3A_86 : vector<200x32xi32>
    %slice3A_88 = vector.extract_strided_slice %bitcast_convert_type3A_76 {offsets = [0, 32], sizes = [200, 32], strides = [1, 1]} : vector<200x64xi32> to vector<200x32xi32>
    %shift_right_logical3A_89 = arith.constant 16 : i32
    %shift_right_logical3A_90 = vector.broadcast %shift_right_logical3A_89 : i32 to vector<200x32xi32>
    %shift_right_logical3A_91 = arith.shrui %slice3A_88, %shift_right_logical3A_90 : vector<200x32xi32>
    %and3A_92 = arith.constant 1 : i32
    %and3A_93 = vector.broadcast %and3A_92 : i32 to vector<200x32xi32>
    %and3A_94 = arith.andi %shift_right_logical3A_91, %and3A_93 : vector<200x32xi32>
    %add3A_95 = arith.constant 32767 : i32
    %add3A_96 = vector.broadcast %add3A_95 : i32 to vector<200x32xi32>
    %add3A_97 = arith.addi %add3A_96, %and3A_94 : vector<200x32xi32>
    %add3A_98 = arith.addi %slice3A_88, %add3A_97 : vector<200x32xi32>
    %and3A_99 = arith.constant -65536 : i32
    %and3A_100 = vector.broadcast %and3A_99 : i32 to vector<200x32xi32>
    %and3A_101 = arith.andi %add3A_98, %and3A_100 : vector<200x32xi32>
    %shift_right_logical3A_102 = arith.constant 16 : i32
    %shift_right_logical3A_103 = vector.broadcast %shift_right_logical3A_102 : i32 to vector<200x32xi32>
    %shift_right_logical3A_104 = arith.shrui %add3A_87, %shift_right_logical3A_103 : vector<200x32xi32>
    %or3A_105 = arith.ori %and3A_101, %shift_right_logical3A_104 : vector<200x32xi32>
    %swap3A_106 = arith.constant 0 : index
    %swap3A_107 = arith.constant 64 : index
    %swap3A_108 = vector.load %arg5[%swap3A_106, %swap3A_107] : memref<200x128xi32, #tpu.memory_space<vmem>>, vector<200x32xi32>
    tpu.vector_store %arg5[%swap3A_106, %swap3A_107], %or3A_105 {strides = array<i32>} : memref<200x128xi32, #tpu.memory_space<vmem>>, vector<200x32xi32>,
    %get3A_109 = arith.constant 0 : index
    %get3A_110 = arith.constant 0 : index
    %get3A_111 = vector.load %arg4[%get3A_109, %get3A_110] : memref<200x50xf32, #tpu.memory_space<vmem>>, vector<200x50xf32>
    %jit3A_112 = arith.constant 0 : i32
    %convert_element_type3A_113 = arith.sitofp %jit3A_112 : i32 to f32
    %pad3A_114 = vector.broadcast %convert_element_type3A_113 : f32 to vector<200x14xf32>
    %pad3A_115 = tpu.concatenate %get3A_111, %pad3A_114 in 1 : vector<200x50xf32>, vector<200x14xf32> -> vector<200x64xf32>
    %bitcast_convert_type3A_116 = tpu.bitcast %pad3A_115 : vector<200x64xf32> -> vector<200x64xi32>
    %slice3A_117 = vector.extract_strided_slice %bitcast_convert_type3A_116 {offsets = [0, 0], sizes = [200, 32], strides = [1, 1]} : vector<200x64xi32> to vector<200x32xi32>
    %shift_right_logical3A_118 = arith.constant 16 : i32
    %shift_right_logical3A_119 = vector.broadcast %shift_right_logical3A_118 : i32 to vector<200x32xi32>
    %shift_right_logical3A_120 = arith.shrui %slice3A_117, %shift_right_logical3A_119 : vector<200x32xi32>
    %and3A_121 = arith.constant 1 : i32
    %and3A_122 = vector.broadcast %and3A_121 : i32 to vector<200x32xi32>
    %and3A_123 = arith.andi %shift_right_logical3A_120, %and3A_122 : vector<200x32xi32>
    %add3A_124 = arith.constant 32767 : i32
    %add3A_125 = vector.broadcast %add3A_124 : i32 to vector<200x32xi32>
    %add3A_126 = arith.addi %add3A_125, %and3A_123 : vector<200x32xi32>
    %add3A_127 = arith.addi %slice3A_117, %add3A_126 : vector<200x32xi32>
    %slice3A_128 = vector.extract_strided_slice %bitcast_convert_type3A_116 {offsets = [0, 32], sizes = [200, 32], strides = [1, 1]} : vector<200x64xi32> to vector<200x32xi32>
    %shift_right_logical3A_129 = arith.constant 16 : i32
    %shift_right_logical3A_130 = vector.broadcast %shift_right_logical3A_129 : i32 to vector<200x32xi32>
    %shift_right_logical3A_131 = arith.shrui %slice3A_128, %shift_right_logical3A_130 : vector<200x32xi32>
    %and3A_132 = arith.constant 1 : i32
    %and3A_133 = vector.broadcast %and3A_132 : i32 to vector<200x32xi32>
    %and3A_134 = arith.andi %shift_right_logical3A_131, %and3A_133 : vector<200x32xi32>
    %add3A_135 = arith.constant 32767 : i32
    %add3A_136 = vector.broadcast %add3A_135 : i32 to vector<200x32xi32>
    %add3A_137 = arith.addi %add3A_136, %and3A_134 : vector<200x32xi32>
    %add3A_138 = arith.addi %slice3A_128, %add3A_137 : vector<200x32xi32>
    %and3A_139 = arith.constant -65536 : i32
    %and3A_140 = vector.broadcast %and3A_139 : i32 to vector<200x32xi32>
    %and3A_141 = arith.andi %add3A_138, %and3A_140 : vector<200x32xi32>
    %shift_right_logical3A_142 = arith.constant 16 : i32
    %shift_right_logical3A_143 = vector.broadcast %shift_right_logical3A_142 : i32 to vector<200x32xi32>
    %shift_right_logical3A_144 = arith.shrui %add3A_127, %shift_right_logical3A_143 : vector<200x32xi32>
    %or3A_145 = arith.ori %and3A_141, %shift_right_logical3A_144 : vector<200x32xi32>
    %swap3A_146 = arith.constant 0 : index
    %swap3A_147 = arith.constant 96 : index
    %swap3A_148 = vector.load %arg5[%swap3A_146, %swap3A_147] : memref<200x128xi32, #tpu.memory_space<vmem>>, vector<200x32xi32>
    tpu.vector_store %arg5[%swap3A_146, %swap3A_147], %or3A_145 {strides = array<i32>} : memref<200x128xi32, #tpu.memory_space<vmem>>, vector<200x32xi32>,
    return
  }
  func.func @transform_0(%arg0: i32) -> (i32, i32) {
    %add3A = arith.constant 0 : i32
    %add3A_0 = arith.addi %arg0, %add3A : i32
    %c0_i32 = arith.constant 0 : i32
    %c0_i32_1 = arith.constant 0 : i32
    return %add3A_0, %c0_i32 : i32, i32
  }
  func.func @transform_1(%arg0: i32) -> (i32, i32) {
    %add3A = arith.constant 125 : i32
    %add3A_0 = arith.addi %arg0, %add3A : i32
    %c0_i32 = arith.constant 0 : i32
    %c0_i32_1 = arith.constant 0 : i32
    return %add3A_0, %c0_i32 : i32, i32
  }
  func.func @transform_2(%arg0: i32) -> (i32, i32) {
    %add3A = arith.constant 250 : i32
    %add3A_0 = arith.addi %arg0, %add3A : i32
    %c0_i32 = arith.constant 0 : i32
    %c0_i32_1 = arith.constant 0 : i32
    return %add3A_0, %c0_i32 : i32, i32
  }
  func.func @transform_3(%arg0: i32) -> (i32, i32) {
    %add3A = arith.constant 375 : i32
    %add3A_0 = arith.addi %arg0, %add3A : i32
    %c0_i32 = arith.constant 0 : i32
    %c0_i32_1 = arith.constant 0 : i32
    return %add3A_0, %c0_i32 : i32, i32
  }
  func.func @transform_4(%arg0: i32) -> (i32, i32) {
    %c0_i32 = arith.constant 0 : i32
    %c0_i32_0 = arith.constant 0 : i32
    return %arg0, %c0_i32 : i32, i32
  }
}

module attributes {stable_mosaic.version = 14 : i64} {
  func.func @_head_body(%arg0: memref<4096x64xf32, #tpu.memory_space<vmem>>, %arg1: memref<4096x1xi32, #tpu.memory_space<vmem>>, %arg2: memref<20x50xf32, #tpu.memory_space<vmem>>, %arg3: memref<1x20xf32, #tpu.memory_space<vmem>>, %arg4: memref<4096x20xf32, #tpu.memory_space<vmem>>) attributes {dimension_semantics = [], scalar_prefetch = 0 : i64, scratch_operands = 0 : i64, tpu.core_type = #tpu.core_type<tc>} {
    %get3A = arith.constant 0 : index
    %get3A_0 = arith.constant 0 : index
    %get3A_1 = vector.load %arg0[%get3A, %get3A_0] : memref<4096x64xf32, #tpu.memory_space<vmem>>, vector<4096x50xf32>
    %get3A_2 = arith.constant 0 : index
    %get3A_3 = arith.constant 0 : index
    %get3A_4 = vector.load %arg1[%get3A_2, %get3A_3] : memref<4096x1xi32, #tpu.memory_space<vmem>>, vector<4096x1xi32>
    %convert_element_type3A = arith.sitofp %get3A_4 : vector<4096x1xi32> to vector<4096x1xf32>
    %div3A = vector.broadcast %convert_element_type3A : vector<4096x1xf32> to vector<4096x50xf32>
    %div3A_5 = arith.divf %get3A_1, %div3A : vector<4096x50xf32>
    %max3A = arith.constant 0.000000e+00 : f32
    %max3A_6 = vector.broadcast %max3A : f32 to vector<4096x50xf32>
    %max3A_7 = arith.maximumf %div3A_5, %max3A_6 : vector<4096x50xf32>
    %get3A_8 = arith.constant 0 : index
    %get3A_9 = arith.constant 0 : index
    %get3A_10 = vector.load %arg2[%get3A_8, %get3A_9] : memref<20x50xf32, #tpu.memory_space<vmem>>, vector<20x50xf32>
    %dot_general3A = arith.constant dense<0.000000e+00> : vector<4096x20xf32>
    %dot_general3A_11 = tpu.matmul %max3A_7, %get3A_10, %dot_general3A {dimension_numbers = #tpu.dot_dimension_numbers<[1], [1], [0], [0], [0, 0, 1, 0], [], []>, transpose_lhs_hint = false} : vector<4096x50xf32>, vector<20x50xf32>, vector<4096x20xf32> -> vector<4096x20xf32>
    %get3A_12 = arith.constant 0 : index
    %get3A_13 = arith.constant 0 : index
    %get3A_14 = vector.load %arg3[%get3A_12, %get3A_13] : memref<1x20xf32, #tpu.memory_space<vmem>>, vector<1x20xf32>
    %add3A = vector.broadcast %get3A_14 : vector<1x20xf32> to vector<4096x20xf32>
    %add3A_15 = arith.addf %dot_general3A_11, %add3A : vector<4096x20xf32>
    %swap3A = arith.constant 0 : index
    %swap3A_16 = arith.constant 0 : index
    %swap3A_17 = vector.load %arg4[%swap3A, %swap3A_16] : memref<4096x20xf32, #tpu.memory_space<vmem>>, vector<4096x20xf32>
    tpu.vector_store %arg4[%swap3A, %swap3A_16], %add3A_15 {strides = array<i32>} : memref<4096x20xf32, #tpu.memory_space<vmem>>, vector<4096x20xf32>,
    return
  }
}

</mosaic_0001>

<sc_bundles>
// kernel: kernel.5.cloned.1.call-start
scs
__scs_entry_jumppad:
0x0: {  	(pc) =	sbr.rel $0x88, $3  }
0x1: {  	(tag) =	ssettag $0x0;
	lr =	simm.s32 $0x1  }
0x2: {  	[smem:$0x3F9C] =	sst lr;
	_ =	strace $0xD0000000  }
0x3: {  	_ = 	snop  }
0x4: {  	_ = 	snop  }
0x5: {  	_ = 	snop  }
0x6: {  	_ = 	snop  }
0x7: {  	_ = 	snop  }
__scs_overlays_trampoline_lowered:
0x8: {  	[smem:$0x3FAB] =	sst s0  }
0x9: {  	[smem:$0x3FAC] =	sst s1  }
0xa: {  	[smem:$0x3FAD] =	sst s2  }
0xb: {  	[smem:$0x3FAE] =	sst s3  }
0xc: {  	[smem:$0x3FAF] =	sst s4  }
0xd: {  	[smem:$0x3FB0] =	sst s5  }
0xe: {  	[smem:$0x3FB1] =	sst s6  }
0xf: {  	[smem:$0x3FB2] =	sst s7  }
0x10: {  	[smem:$0x3FB3] =	sst s8  }
0x11: {  	[smem:$0x3FB4] =	sst s9;
	s0 =	simm.s32 @!p0 $0x0  }
0x12: {  	s1 =	sld [smem:$0x3F9A];
	s0 =	simm.s32 @p0 $0x1  }
0x13: {  	[smem:$0x3FB5] =	sst s0;
	s0 =	simm.s32 @!p1 $0x0  }
0x14: {  	s2 =	sld [smem:$0x3F99];
	s0 =	simm.s32 @p1 $0x1  }
0x15: {  	[smem:$0x3FB6] =	sst s0;
	s0 =	simm.s32 @!p2 $0x0  }
0x16: {  	s3 =	sld [smem:$0x3FDB];
	s0 =	simm.s32 @p2 $0x1  }
0x17: {  	s4 =	simm.s32 $0x1BF5;
	[smem:$0x3FB8] =	sst s0  }
0x18: {  	s0 =	sld [smem:$0x3F9B];
	_ =	swait.ge [sflag:s4], $0x0  }
0x19: {  	s7 =	sld [smem:$0x3F9C]  }
0x1a: {  	s8 =	sadd.s32 $0xFFFFE003, lr  }
0x1b: {  	s9 =	sadd.s32 $0xFFFFFEF7, lr;
	s5 =	simm.s32 $0xFFFFFFFF;
	p2 =	slt.u32 s8, $0xFFFFF086  }
0x1c: {  	p1 =	slt.u32 s9, $0xF7A;
	s5 =	simm.s32 @!p2 $0x0  }
0x1d: {  	s5 =	simm.s32 @p1 $0x1;
	p0 =	seq.s32 s7, s2  }
0x1e: {  	s7 =	smul.u32 @!p0 $0xF7A, s2;
	p2 =	seq.s32 @!p0 s5, $0x0  }
0x1f: {  	s9 =	smul.u32 $0xF7A, s1;
	s8 =	simm.s32 @!p0 $0x1BF5;
	p2 =	por !p2, p0  }
0x20: {  	[sflag:s8] =	ssyncset.s32 @!p0 $0xFFFFF086;
	s6 =	sadd.s32 @!p0 s3, s7;
	s7 =	simm.s32 @!p0 $0x108  }
0x21: {  	s3 =	sadd.s32 s3, s9;
	s6 =	sadd.s32 @!p0 $0x88, s6;
	s7 =	simm.s32 @p2 $0x1082  }
0x22: {  	[simem:s7], [sflag:s8] =	dma.local @!p0 [hbm:s6], $0xF7A  }
0x23: {  	s9 =	sor.u32 $0xD0000000, s2;
	s6 =	simm.s32 $0x108;
	_ =	swait.ge @!p0 [sflag:s8], $0x0  }
0x24: {  	s3 =	sadd.s32 $0x88, s3;
	s6 =	simm.s32 @!p1 $0x1082;
	[sflag:s4] =	ssyncset.s32 $0xFFFFF086  }
0x25: {  	[simem:s6], [sflag:s4] =	dma.local [hbm:s3], $0xF7A  }
0x26: {  	[smem:$0x3F9C] =	sst s1;
	(tag) =	ssettag s2;
	_ =	strace s9  }
0x27: {  	s1 =	sld [smem:$0x3FAC]  }
0x28: {  	s2 =	sld [smem:$0x3FAD]  }
0x29: {  	s4 =	sld [smem:$0x3FAF]  }
0x2a: {  	p0 =	seq.s32 s5, $0x0;
	s5 =	sld [smem:$0x3FB0]  }
0x2b: {  	s6 =	sld [smem:$0x3FB1]  }
0x2c: {  	s7 =	sld [smem:$0x3FB2]  }
0x2d: {  	s3 =	simm.s32 $0x108;
	s8 =	sld [smem:$0x3FB3]  }
0x2e: {  	s3 =	simm.s32 @!p0 $0x1082;
	s9 =	sld [smem:$0x3FB4]  }
0x2f: {  	lr =	sadd.s32 s0, s3;
	s0 =	sld [smem:$0x3FAB]  }
0x30: {  	s3 =	sld [smem:$0x3FAE]  }
0x31: {  	[smem:$0x3FB7] =	sst s10  }
0x32: {  	s10 =	sld [smem:$0x3FB5];
	_ =	sdelay $0x3  }
0x33: {  	p0 =	seq.s32 s10, $0x1;
	s10 =	sld [smem:$0x3FB7];
	_ =	sdelay $0x3  }
0x34: {  	[smem:$0x3FB7] =	sst s10  }
0x35: {  	s10 =	sld [smem:$0x3FB6];
	_ =	sdelay $0x3  }
0x36: {  	p1 =	seq.s32 s10, $0x1;
	s10 =	sld [smem:$0x3FB7];
	_ =	sdelay $0x3  }
0x37: {  	[smem:$0x3FB7] =	sst s10  }
0x38: {  	s10 =	sld [smem:$0x3FB8]  }
0x39: {  	_ = 	snop;
	(pc) =	sbr.ind lr, $3  }
0x3a: {  	_ = 	snop  }
0x3b: {  	_ = 	snop  }
0x3c: {  	p2 =	seq.s32 s10, $0x1;
	s10 =	sld [smem:$0x3FB7]  }
0x3d: {  	_ =	shalt  }
0x3e: {  	_ =	shalt  }
0x3f: {  	_ =	shalt  }
0x40: {  	_ =	shalt  }
0x41: {  	_ =	shalt  }
0x42: {  	_ =	shalt  }
0x43: {  	_ =	shalt  }
0x44: {  	_ =	shalt  }
0x45: {  	_ =	shalt  }
0x46: {  	_ =	shalt  }
0x47: {  	_ =	shalt  }
0x48: {  	_ =	shalt  }
0x49: {  	_ =	shalt  }
0x4a: {  	_ =	shalt  }
0x4b: {  	_ =	shalt  }
0x4c: {  	_ =	shalt  }
0x4d: {  	_ =	shalt  }
0x4e: {  	_ =	shalt  }
0x4f: {  	_ =	shalt  }
0x50: {  	_ =	shalt  }
0x51: {  	_ =	shalt  }
0x52: {  	_ =	shalt  }
0x53: {  	_ =	shalt  }
0x54: {  	_ =	shalt  }
0x55: {  	_ =	shalt  }
0x56: {  	_ =	shalt  }
0x57: {  	_ =	shalt  }
0x58: {  	_ =	shalt  }
0x59: {  	_ =	shalt  }
0x5a: {  	_ =	shalt  }
0x5b: {  	_ =	shalt  }
0x5c: {  	_ =	shalt  }
0x5d: {  	_ =	shalt  }
0x5e: {  	_ =	shalt  }
0x5f: {  	_ =	shalt  }
0x60: {  	_ =	shalt  }
0x61: {  	_ =	shalt  }
0x62: {  	_ =	shalt  }
0x63: {  	_ =	shalt  }
0x64: {  	_ =	shalt  }
0x65: {  	_ =	shalt  }
0x66: {  	_ =	shalt  }
0x67: {  	_ =	shalt  }
0x68: {  	_ =	shalt  }
0x69: {  	_ =	shalt  }
0x6a: {  	_ =	shalt  }
0x6b: {  	_ =	shalt  }
0x6c: {  	_ =	shalt  }
0x6d: {  	_ =	shalt  }
0x6e: {  	_ =	shalt  }
0x6f: {  	_ =	shalt  }
0x70: {  	_ =	shalt  }
0x71: {  	_ =	shalt  }
0x72: {  	_ =	shalt  }
0x73: {  	_ =	shalt  }
0x74: {  	_ =	shalt  }
0x75: {  	_ =	shalt  }
0x76: {  	_ =	shalt  }
0x77: {  	_ =	shalt  }
0x78: {  	_ =	shalt  }
0x79: {  	_ =	shalt  }
0x7a: {  	_ =	shalt  }
0x7b: {  	_ =	shalt  }
0x7c: {  	_ =	shalt  }
0x7d: {  	_ =	shalt  }
0x7e: {  	_ =	shalt  }
0x7f: {  	_ =	shalt  }
0x80: {  	_ =	shalt  }
0x81: {  	_ =	shalt  }
0x82: {  	_ =	shalt  }
0x83: {  	_ =	shalt  }
0x84: {  	_ =	shalt  }
0x85: {  	_ =	shalt  }
0x86: {  	_ =	shalt  }
0x87: {  	_ =	shalt  }
.Lfunc_end0:
.L_simem_size_0:
called_computation_lowered:
.L_overlay_start_0:
0x88: {  	s2 =	sld [smem:$0x3FD9]  }
0x89: {  	s3 =	sld [smem:$0x3FFE];
	_ =	sdelay $0x1  }
0x8a: {  	s1 =	srdreg.scid  }
0x8b: {  	s0 =	sand.u32 $0x1, s1  }
0x8c: {  	s17 =	sshll.u32 s0, $0xA;
	s2 =	sadd.s32 s3, s2  }
0x8d: {  	s2 =	sadd.s32 s2, s17  }
0x8e: {  	[smem:$0x3FC3] =	sst s2  }
0x8f: {  	_ = 	snop  }
0x90: {  	s2 =	sld [smem:$0x3FC8];
	(tm) =	ssettm $0x1  }
0x91: {  	s18 =	sld [smem:$0x3FFB];
	_ =	sdelay $0x3  }
0x92: {  	_ =	strace s18  }
0x93: {  	s3 =	sld [smem:$0x3FFC];
	_ =	sdelay $0x3  }
0x94: {  	_ =	strace s3  }
0x95: {  	s3 =	sld [smem:$0x3FFD];
	_ =	sdelay $0x3  }
0x96: {  	_ =	strace s3  }
0x97: {  	_ =	strace $0x8FFFFFFF  }
0x98: {  	s19 =	sld [smem:$0x3FDB];
	_ =	sdelay $0x1  }
0x99: {  	s4 =	simm.s32 $_scs_section_size  }
0x9a: {  	s5 =	simm.s32 $_size__tile_overlayer_lowered;
	s6 =	simm.s32 $_tile_overlayer_lowered  }
0x9b: {  	s22 =	simm.s32 $0x1BFF;
	s21 =	sshll.u32 s6, $0x1;
	s3 =	sadd.s32 s4, s19  }
0x9c: {  	s7 =	simm.s32 $0x0;
	s20 =	sshll.u32 s5, $0x1;
	s5 =	sadd.s32 s21, s3  }
0x9d: {  	[timem:s7], [sflag:s22] =	dma.local [hbm:s5], s20  }
0x9e: {  	_ =	swait.ge [sflag:s22], s20  }
0x9f: {  	s4 =	ssub.s32 $0x0, s20;
	[sflag:s22] =	ssyncset.done $0x0  }
0xa0: {  	[sflag:s22] =	ssyncadd.s32 s4;
	_ =	sdelay $0x1  }
0xa1: {  	s23 =	simm.s32 $0x1B8B  }
0xa2: {  	_ =	swait.ge [sflag:s23], $0x1  }
0xa3: {  	[sflag:s23] =	ssyncset.done $0x0  }
0xa4: {  	s25 =	simm.s32 $0x1B8E;
	s24 =	sld [smem:$0x3FFE];
	[sflag:s23] =	ssyncadd.s32 $0xFFFFFFFF  }
0xa5: {  	s26 =	simm.s32 $execute0_lowered;
	[smem:$0x3FD2] =	sst s25  }
0xa6: {  	s5 =	sshll.u32 s26, $0x1;
	_ =	strace $0x80000046;
	[dreg:$0x1] =	wrdreg $0xFFFFFFFF  }
0xa7: {  	s28 =	simm.s32 $_size_execute0_lowered;
	s3 =	sadd.s32 s3, s5;
	[dreg:$0x0] =	wrdreg $0x0  }
0xa8: {  	s5 =	sshll.u32 s28, $0x1;
	[dreg:$0x2] =	wrdreg s3  }
0xa9: {  	[dreg:$0x3] =	wrdreg s5  }
0xaa: {  	[dreg:$0x4] =	wrdreg $0xC0  }
0xab: {  	_ =	task [dreg:s7], $0x5FFFF  }
0xac: {  	[dreg:$0x1] =	wrdreg $0xFFFFFFFF  }
0xad: {  	[dreg:$0x0] =	wrdreg $0x60  }
0xae: {  	[dreg:$0x2] =	wrdreg s24  }
0xaf: {  	[dreg:$0x3] =	wrdreg s2  }
0xb0: {  	[dreg:$0x4] =	wrdreg $0x9  }
0xb1: {  	_ =	task.clear_ibuf [dreg:s7], $0x5FFFF;
	_ =	strace $0x90000046  }
0xb2: {  	s29 =	simm.s32 $0x9;
	_ =	strace $0x80000048  }
0xb3: {  	_ =	swait.ge [sflag:s29], $0x1  }
0xb4: {  	[sflag:s29] =	ssyncadd.s32 $0xFFFFFFFF  }
0xb5: {  	_ =	strace $0x90000048  }
0xb6: {  	_ =	sfence  }
0xb7: {  	s30 =	sld [smem:$0x0];
	_ =	sdelay $0x2  }
0xb8: {  	s31 =	sshll.u32 s1, $0xD;
	s1 =	sshrl.u32 s1, $0x2  }
0xb9: {  	s3 =	sand.u32 $0x4000, s31;
	s1 =	sadd.s32 s1, s30  }
0xba: {  	s0 =	sor.u32 s3, s0;
	s1 =	sshll.u32 s1, $0x11  }
0xbb: {  	s0 =	sor.u32 s1, s0  }
0xbc: {  	s0 =	sadd.s32 $0x8F2B, s0  }
0xbd: {  	[sflag:s0] =	ssyncadd.remote.s32 $0x1  }
0xbe: {  	_ =	sfence.sel $0xFFFF  }
0xbf: {  	[dreg:$0x0] =	wrdreg $0xFFFFFFFF;
	(pc) =	sbr.abs _section_cstart, $3  }
0xc0: {  	[dreg:$0x1] =	wrdreg $0xFFFFFFFF  }
0xc1: {  	_ =	task.clear_ibuf [dreg:s7], $0x2FFFF;
	_ =	strace $0x9FFFFFFF  }
0xc2: {  	(tm) =	ssettm $0x7FFFFFFF  }
0xc3: {  	_ =	shalt  }
tec
execute0_lowered:
.L_overlay_start_1:
0x0: {  	(tag) =	ssettag $0x1  }
0x1: {  	s1 =	srdreg.scid  }
0x2: {  	s0 =	stileid.u32;
	s5 =	rddreg [dreg:$0x0]  }
0x3: {  	s6 =	rddreg [dreg:$0x1];
	s11 =	simm.s32 $0x40;
	s12 =	simm.s32 $0x2  }
0x4: {  	s13 =	simm.s32 $0x6490;
	s14 =	simm.s32 $0x0;
	s4 =	sand.u32 $0x1, s1  }
0x5: {  	s30 =	sshll.u32 s0, $0x8;
	s1 =	rddreg [dreg:$0x2];
	s2 =	sshll.u32 s4, $0x7  }
0x6: {  	s4 =	ssub.s32 $0x2, s4;
	s7 =	sor.u32 s2, s30;
	s2 =	simm.s32 $0x0  }
0x7: {  	s31 =	sshrl.u32 s4, $0x1;
	s3 =	smul.u32 $0x19, s7;
	[smem:$0x7FF] =	sst s2  }
.Ltmp0:
0x8: {  	s9 =	sshll.u32 s7, $0x3;
	s7 =	sshrl.u32 s7, $0x3;
	(pc) =	sbr.rel .LBB2_1-.Ltmp0, $4  }
0x9: {  	s10 =	ssub.s32 s4, s31;
	_ =	strace $0x80000047;
	s9 =	sadd.s32 s9, s5  }
0xa: {  	s8 =	sadd.s32 s3, s5;
	s3 =	sadd.s32 $0xE00, s5;
	s5 =	sadd.s32 s6, s7  }
0xb: {  	s6 =	sadd.s32 $0x7BA00, s9;
	s7 =	smax.u32 s10, $0x1;
	s9 =	simm.s32 $0x6400  }
0xc: {  	s10 =	simm.s32 $0x1;
	s4 =	sadd.s32 $0x62A00, s8;
	s8 =	simm.s32 $0x3  }
.LBB2_49:
0xd: {  	[sflag:s10] =	ssyncadd.s32 $0xFFFFF800  }
.LBB2_50:
0xe: {  	s14 =	sadd.s32 $0x1, s14  }
0xf: {  	p0 =	sne.s32 s14, s7  }
.Ltmp1:
0x10: {  	_ = 	snop;
	(pc) =	sbr.rel @!p0 .LBB2_51-.Ltmp1, $4  }
0x11: {  	[hbm4b:s6+s2] =	stream.linear.scatter [tilespmem:s13], [sflag:$0x3], $0x2000, $0x38;
	[tilespmem:$0xC490] =	vst v63  }
0x12: {  	_ =	swait.ge [sflag:s8], $0x2000  }
0x13: {  	[sflag:s8] =	ssyncset.done $0x0  }
0x14: {  	[sflag:s8] =	ssyncadd.s32 $0xFFFFE000  }
.LBB2_1:
0x15: {  	[tilespmem:s2], [sflag:$0x3] =	stream.linear.gather [hbm4b:s4+s2], $0x6400, $0x38;
	[tilespmem:$0xC490] =	vst v63  }
0x16: {  	_ =	swait.ge [sflag:s8], $0x6400  }
0x17: {  	[sflag:s8] =	ssyncset.done $0x0  }
0x18: {  	[sflag:s8] =	ssyncadd.s32 $0xFFFF9C00  }
0x19: {  	[tilespmem:s9], [sflag:$0x3] =	stream.linear.gather [hbm4b:s5+s2], $0x80, $0x38;
	[tilespmem:$0xC490] =	vst v63  }
0x1a: {  	_ =	swait.ge [sflag:s8], $0x80  }
0x1b: {  	[sflag:s8] =	ssyncset.done $0x0  }
0x1c: {  	[sflag:s8] =	ssyncadd.s32 $0xFFFFFF80  }
0x1d: {  	v0 =	vld [tilespmem:$0x6400];
	_ =	sdelay $0x4  }
0x1e: {  	(v2sf) =	vpush v0, $0x0;
	_ =	sdelay $0xe  }
0x1f: {  	s15 =	spop (v2sf)  }
0x20: {  	s15 =	sadd.s32 $0x3F, s15  }
0x21: {  	s16 =	sand.u32 $0x3F, s15  }
0x22: {  	s31 =	sshra.s32 s15, $0x1F;
	p1 =	slt.s32 s15, $0x1;
	p0 =	sne.s32 s16, $0x0  }
0x23: {  	s16 =	sshrl.u32 s31, $0x1A;
	p0 =	por !p1, !p0  }
0x24: {  	s15 =	sadd.s32 s16, s15;
	s16 =	simm.s32 $0x1;
	p0 =	por !p0, !p0  }
0x25: {  	s15 =	sshra.s32 s15, $0x6;
	s16 =	simm.s32 @!p0 $0x0  }
0x26: {  	s16 =	ssub.s32 s15, s16  }
0x27: {  	p0 =	slt.s32 s16, $0x1  }
.Ltmp2:
0x28: {  	_ = 	snop;
	(pc) =	sbr.rel @p0 .LBB2_4-.Ltmp2, $2  }
0x29: {  	_ =	sdelay $0x2  }
0x2a: {  	s15 =	simm.s32 $0x8490  }
0x2b: {  	p0 =	sne.s32 s16, $0x1  }
.Ltmp3:
0x2c: {  	_ = 	snop;
	(pc) =	sbr.rel @!p0 .LBB2_4-.Ltmp3, $3  }
0x2d: {  	_ =	sdelay $0x1  }
0x2e: {  	[tilespmem:s15], [sflag:$0x1] =	stream.indirect.gather [hbm4b:s3+s11], $0x20, s2, s11, $0xb8;
	[tilespmem:$0xC490] =	vst v63  }
0x2f: {  	s16 =	sadd.s32 $0xFFFFFFFF, s16;
	s17 =	simm.s32 $0x0  }
.LBB2_3:
0x30: {  	p0 =	sne.s32 s16, $0x1  }
.Ltmp4:
0x31: {  	_ = 	snop;
	(pc) =	sbr.rel @p0 .LBB2_3-.Ltmp4, $4  }
0x32: {  	_ = 	snop  }
0x33: {  	s17 =	sadd.s32 $0x40, s17;
	s15 =	sadd.s32 $0x800, s15  }
0x34: {  	s16 =	sadd.s32 $0xFFFFFFFF, s16  }
0x35: {  	[tilespmem:s15], [sflag:$0x1] =	stream.indirect.gather [hbm4b:s3+s11], $0x20, s17, s11, $0xb8;
	[tilespmem:$0xC490] =	vst v63  }
.LBB2_4:
.Ltmp5:
0x36: {  	(pc) =	sbr.rel .LBB2_5-.Ltmp5, $2  }
0x37: {  	_ =	sdelay $0x2  }
0x38: {  	s15 =	simm.s32 $0x0;
	s16 =	simm.s32 $0xC8  }
.LBB2_44:
0x39: {  	v11 =	vshll.u32 v7, $0x10  }
0x3a: {  	v7 =	vand.u32 $0xFFFF0000, v7;
	v2 =	vadd.f32 v10, v2;
	v1 =	vadd.f32 v8, v1  }
0x3b: {  	v4 =	vadd.f32 v11, v4;
	v0 =	vadd.f32 v7, v0  }
.LBB2_45:
0x3c: {  	s17 =	sshllo.u32 s15, $0x1;
	s15 =	sadd.s32 $0x1, s15  }
0x3d: {  	v4 =	vadd.f32 v4, v5;
	s17 =	sshll.u32 s17, $0x6;
	p0 =	sne.s32 s15, $0x40  }
.Ltmp6:
0x3e: {  	v1 =	vadd.f32 v1, v9;
	s17 =	sand.u32 $0x3FFFFFC0, s17;
	(pc) =	sbr.rel @!p0 .LBB2_46-.Ltmp6, $4  }
0x3f: {  	v0 =	vadd.f32 v0, v6;
	[tilespmem:s17+$0x6490] =	vst v4  }
0x40: {  	v63 =	vadd.f32 v2, v3;
	[tilespmem:s17+$0x64A0] =	vst v1  }
0x41: {  	[tilespmem:s17+$0x64B0] =	vst v0  }
0x42: {  	s16 =	sadd.s32 $0x190, s16;
	[tilespmem:s17+$0x64C0] =	vst v63  }
.LBB2_5:
0x43: {  	s17 =	sshll.u32 s15, $0x1  }
0x44: {  	v0 =	vld [tilespmem:s17+$0x6401];
	_ =	sdelay $0x4  }
0x45: {  	(v2sf) =	vpush v0, $0x0;
	_ =	sdelay $0xe  }
0x46: {  	s18 =	spop (v2sf)  }
0x47: {  	s18 =	sadd.s32 $0x3F, s18  }
0x48: {  	s19 =	sand.u32 $0x3F, s18  }
0x49: {  	s31 =	sshra.s32 s18, $0x1F;
	p1 =	slt.s32 s18, $0x1;
	p0 =	sne.s32 s19, $0x0  }
0x4a: {  	s19 =	sshrl.u32 s31, $0x1A;
	p0 =	por !p1, !p0  }
0x4b: {  	s18 =	sadd.s32 s19, s18;
	s19 =	simm.s32 $0x1;
	p0 =	por !p0, !p0  }
0x4c: {  	s18 =	sshra.s32 s18, $0x6;
	s19 =	simm.s32 @!p0 $0x0  }
0x4d: {  	s19 =	ssub.s32 s18, s19  }
0x4e: {  	p0 =	slt.s32 s19, $0x1  }
.Ltmp7:
0x4f: {  	_ = 	snop;
	(pc) =	sbr.rel @p0 .LBB2_8-.Ltmp7, $2  }
0x50: {  	_ =	sdelay $0x2  }
0x51: {  	s18 =	simm.s32 $0xA490  }
0x52: {  	p0 =	sne.s32 s19, $0x1  }
.Ltmp8:
0x53: {  	_ = 	snop;
	(pc) =	sbr.rel @!p0 .LBB2_8-.Ltmp8, $3  }
0x54: {  	_ =	sdelay $0x1  }
0x55: {  	[tilespmem:s18], [sflag:$0x2] =	stream.indirect.gather [hbm4b:s3+s11], $0x20, s16, s11, $0xb8;
	[tilespmem:$0xC490] =	vst v63  }
0x56: {  	s19 =	sadd.s32 $0xFFFFFFFF, s19;
	s20 =	smov.u32 s16  }
.LBB2_7:
0x57: {  	p0 =	sne.s32 s19, $0x1  }
.Ltmp9:
0x58: {  	_ = 	snop;
	(pc) =	sbr.rel @p0 .LBB2_7-.Ltmp9, $4  }
0x59: {  	_ = 	snop  }
0x5a: {  	s20 =	sadd.s32 $0x40, s20;
	s18 =	sadd.s32 $0x800, s18  }
0x5b: {  	s19 =	sadd.s32 $0xFFFFFFFF, s19  }
0x5c: {  	[tilespmem:s18], [sflag:$0x2] =	stream.indirect.gather [hbm4b:s3+s11], $0x20, s20, s11, $0xb8;
	[tilespmem:$0xC490] =	vst v63  }
.LBB2_8:
0x5d: {  	v0 =	vld [tilespmem:s17+$0x6400];
	_ =	sdelay $0x4  }
0x5e: {  	(v2sf) =	vpush v0, $0x0;
	_ =	sdelay $0xe  }
0x5f: {  	s18 =	spop (v2sf)  }
0x60: {  	s19 =	sadd.s32 $0x3F, s18  }
0x61: {  	s20 =	sand.u32 $0x3F, s19  }
0x62: {  	s31 =	sshra.s32 s19, $0x1F;
	p1 =	slt.s32 s19, $0x1;
	p0 =	sne.s32 s20, $0x0  }
0x63: {  	s20 =	sshrl.u32 s31, $0x1A;
	p0 =	por !p1, !p0  }
0x64: {  	s19 =	sadd.s32 s20, s19;
	s20 =	simm.s32 $0x1;
	p0 =	por !p0, !p0  }
0x65: {  	s19 =	sshra.s32 s19, $0x6;
	s20 =	simm.s32 @!p0 $0x0  }
0x66: {  	s19 =	ssub.s32 s19, s20  }
0x67: {  	p0 =	slt.s32 s19, $0x1  }
.Ltmp10:
0x68: {  	_ = 	snop;
	(pc) =	sbr.rel @p0 .LBB2_12-.Ltmp10, $1  }
0x69: {  	_ =	sdelay $0x3  }
0x6a: {  	p0 =	sne.s32 s19, $0x1  }
.Ltmp11:
0x6b: {  	_ = 	snop;
	(pc) =	sbr.rel @!p0 .LBB2_11-.Ltmp11, $3  }
0x6c: {  	_ =	sdelay $0x1  }
0x6d: {  	_ =	swait.ge [sflag:s10], $0x800  }
0x6e: {  	s19 =	sadd.s32 $0xFFFFFFFF, s19;
	[sflag:s10] =	ssyncset.done $0x0  }
.LBB2_10:
0x6f: {  	p0 =	sne.s32 s19, $0x1;
	s19 =	sadd.s32 $0xFFFFFFFF, s19;
	[sflag:s10] =	ssyncadd.s32 $0xFFFFF800  }
.Ltmp12:
0x70: {  	(pc) =	sbr.rel @p0 .LBB2_10-.Ltmp12, $3  }
0x71: {  	_ =	sdelay $0x1  }
0x72: {  	_ =	swait.ge [sflag:s10], $0x800  }
0x73: {  	[sflag:s10] =	ssyncset.done $0x0  }
.LBB2_11:
0x74: {  	[sflag:s10] =	ssyncadd.s32 $0xFFFFF800  }
.LBB2_12:
0x75: {  	s19 =	sand.u32 $0x1, s18  }
0x76: {  	p0 =	slt.s32 s18, $0x1;
	p1 =	seq.s32 s19, $0x1  }
0x77: {  	s31 =	sshrl.u32 s18, $0x1F;
	p0 =	por !p0, !p1  }
0x78: {  	s20 =	simm.s32 $0x1;
	s19 =	sadd.s32 s31, s18;
	p0 =	por !p0, !p0  }
0x79: {  	s19 =	sshra.s32 s19, $0x1;
	s20 =	simm.s32 @!p0 $0x0  }
0x7a: {  	s19 =	ssub.s32 s19, s20  }
0x7b: {  	s20 =	sshll.u32 s19, $0x1  }
0x7c: {  	p0 =	slt.s32 s20, $0x1  }
.Ltmp13:
0x7d: {  	_ = 	snop;
	(pc) =	sbr.rel @p0 .LBB2_13-.Ltmp13, $1  }
0x7e: {  	_ =	sdelay $0x3  }
0x7f: {  	s21 =	sand.u32 $0x7FFFFFFF, s19  }
0x80: {  	s21 =	smax.u32 s21, $0x1  }
0x81: {  	s21 =	ssub.s32 $0x0, s21  }
0x82: {  	s22 =	simm.s32 $0x84B0;
	s21 =	sadd.s32 $0x1, s21  }
0x83: {  	v14 =	vld [tilespmem:s22+$0xFFFFFFF0];
	p1 =	seq.s32 s21, $0x0  }
.Ltmp14:
0x84: {  	_ = 	snop;
	(pc) =	sbr.rel @p1 .LBB2_15-.Ltmp14, $4  }
0x85: {  	_ = 	snop  }
0x86: {  	v11 =	vld [tilespmem:s22+$0x10]  }
0x87: {  	v12 =	vld [tilespmem:s22+$0x0]  }
0x88: {  	v0 =	vimm.f32 $0.0e+00;
	p0 =	por $0x0, $0x0;
	v13 =	vld [tilespmem:s22+$0xFFFFFFE0];
	s22 =	simm.s32 $0x84F0;
	v1 =	vshll.u32 v14, $0x10  }
0x89: {  	s21 =	sadd.s32 $0x1, s21  }
0x8a: {  	v9 =	vld [tilespmem:s22+$0xFFFFFFF0];
	v2 =	vand.u32 $0xFFFF0000, v14;
	p1 =	seq.s32 s21, $0x0  }
.Ltmp15:
0x8b: {  	v10 =	vimm.f32 $0.0e+00;
	v2 =	vadd.f32 v2, v0;
	v3 =	vshll.u32 v11, $0x10;
	(pc) =	sbr.rel @p1 .LBB2_17-.Ltmp15, $4  }
0x8c: {  	v4 =	vand.u32 $0xFFFF0000, v11;
	v11 =	vld [tilespmem:s22+$0x10];
	v5 =	vshll.u32 v12, $0x10;
	v3 =	vadd.f32 v3, v0  }
0x8d: {  	v4 =	vadd.f32 v4, v0;
	v7 =	vand.u32 $0xFFFF0000, v12;
	v12 =	vld [tilespmem:s22+$0x0];
	v6 =	vshll.u32 v13, $0x10  }
0x8e: {  	v5 =	vadd.f32 v5, v0;
	v8 =	vand.u32 $0xFFFF0000, v13;
	v7 =	vadd.f32 v7, v0;
	v13 =	vld [tilespmem:s22+$0xFFFFFFE0]  }
0x8f: {  	p0 =	por $0x1, $0x1;
	s22 =	simm.s32 $0x8530;
	v6 =	vadd.f32 v6, v0;
	v15 =	vshll.u32 v9, $0x10;
	v8 =	vadd.f32 v8, v0  }
.LBB2_18:
0x90: {  	s21 =	sadd.s32 $0x1, s21  }
0x91: {  	v19 =	vand.u32 $0xFFFF0000, v9;
	v9 =	vld [tilespmem:s22+$0xFFFFFFF0];
	v10 =	vadd.f32 v1, v10;
	v1 =	vmov v15;
	p1 =	seq.s32 s21, $0x0  }
.Ltmp16:
0x92: {  	v18 =	vshll.u32 v11, $0x10;
	v15 =	vand.u32 $0xFFFF0000, v11;
	v2 =	vadd.f32 v19, v2;
	v11 =	vld [tilespmem:s22+$0x10];
	v16 =	vmovc v12;
	(pc) =	sbr.rel @!p1 .LBB2_18-.Ltmp16, $4  }
0x93: {  	v3 =	vadd.f32 v18, v3;
	v4 =	vadd.f32 v15, v4;
	v12 =	vld [tilespmem:s22+$0x0];
	v17 =	vshll.u32 v16, $0x10;
	v14 =	vmovc v13  }
0x94: {  	v16 =	vand.u32 $0xFFFF0000, v16;
	v13 =	vld [tilespmem:s22+$0xFFFFFFE0];
	v15 =	vshll.u32 v14, $0x10;
	v5 =	vadd.f32 v17, v5  }
0x95: {  	v14 =	vand.u32 $0xFFFF0000, v14;
	v7 =	vadd.f32 v16, v7;
	v6 =	vadd.f32 v15, v6  }
0x96: {  	s22 =	sadd.s32 $0x40, s22;
	v8 =	vadd.f32 v14, v8;
	v15 =	vshll.u32 v9, $0x10  }
0x97: {  	v16 =	vmov v1;
	v14 =	vmov v9;
	v1 =	vmov v15  }
.LBB2_20:
0x98: {  	v9 =	vand.u32 $0xFFFF0000, v14;
	v10 =	vadd.f32 @p0 v16, v10;
	v62 =	vshll.u32 v12, $0x10  }
.Ltmp17:
0x99: {  	v2 =	vadd.f32 v9, v2;
	v9 =	vshll.u32 v11, $0x10;
	v11 =	vand.u32 $0xFFFF0000, v11;
	(pc) =	sbr.rel .LBB2_21-.Ltmp17, $4  }
0x9a: {  	v5 =	vadd.f32 v62, v5;
	v63 =	vand.u32 $0xFFFF0000, v13;
	v9 =	vadd.f32 v9, v3  }
0x9b: {  	v3 =	vadd.f32 v11, v4;
	v4 =	vshll.u32 v13, $0x10;
	v11 =	vand.u32 $0xFFFF0000, v12  }
0x9c: {  	v4 =	vadd.f32 v4, v6;
	v6 =	vadd.f32 v11, v7;
	v7 =	vpsel p0, v10, v0  }
0x9d: {  	v0 =	vadd.f32 v63, v8;
	v1 =	vadd.f32 v1, v7  }
.LBB2_13:
0x9e: {  	v4 =	vimm.f32 $0.0e+00;
	v1 =	vimm.f32 $0.0e+00  }
0x9f: {  	v0 =	vimm.f32 $0.0e+00;
	v2 =	vimm.f32 $0.0e+00;
	v5 =	vimm.f32 $0.0e+00  }
0xa0: {  	v9 =	vimm.f32 $0.0e+00;
	v6 =	vimm.f32 $0.0e+00;
	v3 =	vimm.f32 $0.0e+00  }
.LBB2_21:
0xa1: {  	s18 =	ssub.s32 s18, s20  }
0xa2: {  	p0 =	slt.s32 s18, $0x1  }
.Ltmp18:
0xa3: {  	_ = 	snop;
	(pc) =	sbr.rel @p0 .LBB2_25-.Ltmp18, $1  }
0xa4: {  	_ =	sdelay $0x3  }
0xa5: {  	s19 =	sshll.u32 s19, $0x8  }
0xa6: {  	s19 =	sshra.s32 s19, $0x2  }
0xa7: {  	s19 =	sadd.s32 $0x84A0, s19  }
0xa8: {  	p0 =	sne.s32 s18, $0x1;
	v10 =	vld [tilespmem:s19+$0x0]  }
.Ltmp19:
0xa9: {  	v7 =	vld [tilespmem:s19+$0xFFFFFFF0];
	(pc) =	sbr.rel @!p0 .LBB2_24-.Ltmp19, $2  }
0xaa: {  	_ =	sdelay $0x2  }
0xab: {  	s18 =	sadd.s32 $0xFFFFFFFF, s18;
	s19 =	sadd.s32 $0x20, s19;
	v8 =	vshll.u32 v10, $0x10;
	v10 =	vand.u32 $0xFFFF0000, v10  }
.LBB2_23:
0xac: {  	v11 =	vld [tilespmem:s19+$0x0];
	p0 =	sne.s32 s18, $0x1;
	s18 =	sadd.s32 $0xFFFFFFFF, s18;
	v12 =	vshll.u32 v7, $0x10;
	v13 =	vand.u32 $0xFFFF0000, v7;
	v2 =	vadd.f32 v10, v2  }
.Ltmp20:
0xad: {  	v1 =	vadd.f32 v8, v1;
	v7 =	vld [tilespmem:s19+$0xFFFFFFF0];
	v4 =	vadd.f32 v12, v4;
	(pc) =	sbr.rel @p0 .LBB2_23-.Ltmp20, $2  }
0xae: {  	v0 =	vadd.f32 v13, v0;
	_ =	sdelay $0x2  }
0xaf: {  	s19 =	sadd.s32 $0x20, s19;
	v8 =	vshll.u32 v11, $0x10;
	v10 =	vand.u32 $0xFFFF0000, v11  }
.LBB2_24:
0xb0: {  	v11 =	vshll.u32 v7, $0x10  }
0xb1: {  	v7 =	vand.u32 $0xFFFF0000, v7;
	v2 =	vadd.f32 v10, v2;
	v1 =	vadd.f32 v8, v1  }
0xb2: {  	v4 =	vadd.f32 v11, v4;
	v0 =	vadd.f32 v7, v0  }
.LBB2_25:
0xb3: {  	s18 =	sshll.u32 s15, $0x7;
	v1 =	vadd.f32 v1, v9  }
0xb4: {  	v63 =	vadd.f32 v2, v3;
	s19 =	sand.u32 $0x3FFFFF80, s18  }
0xb5: {  	v4 =	vadd.f32 v4, v5;
	[tilespmem:s19+$0x64A0] =	vst v1  }
0xb6: {  	v0 =	vadd.f32 v0, v6;
	[tilespmem:s19+$0x64C0] =	vst v63  }
0xb7: {  	p0 =	seq.s32 s15, $0x3F;
	s18 =	sadd.s32 $0x2, s17;
	[tilespmem:s19+$0x6490] =	vst v4  }
0xb8: {  	s18 =	simm.s32 @p0 $0x0;
	[tilespmem:s19+$0x64B0] =	vst v0  }
0xb9: {  	v0 =	vld [tilespmem:s18+$0x6400];
	_ =	sdelay $0x4  }
0xba: {  	(v2sf) =	vpush v0, $0x0;
	_ =	sdelay $0xe  }
0xbb: {  	s30 =	spop (v2sf)  }
0xbc: {  	s19 =	sadd.s32 $0x3F, s30  }
0xbd: {  	s20 =	sand.u32 $0x3F, s19  }
0xbe: {  	s31 =	sshra.s32 s19, $0x1F;
	p1 =	slt.s32 s19, $0x1;
	p6 =	sne.s32 s20, $0x0  }
0xbf: {  	s20 =	sshrl.u32 s31, $0x1A;
	p0 =	por !p1, !p6  }
0xc0: {  	s19 =	sadd.s32 s20, s19;
	s20 =	simm.s32 $0x1;
	p0 =	por !p0, !p0  }
0xc1: {  	s19 =	sshra.s32 s19, $0x6;
	s20 =	simm.s32 @!p0 $0x0  }
0xc2: {  	s20 =	ssub.s32 s19, s20  }
0xc3: {  	p0 =	slt.s32 s20, $0x1  }
.Ltmp21:
0xc4: {  	_ = 	snop;
	(pc) =	sbr.rel @p0 .LBB2_28-.Ltmp21, $1  }
0xc5: {  	_ =	sdelay $0x3  }
0xc6: {  	p0 =	sne.s32 s20, $0x1  }
.Ltmp22:
0xc7: {  	_ = 	snop;
	(pc) =	sbr.rel @!p0 .LBB2_28-.Ltmp22, $3  }
0xc8: {  	s18 =	smul.u32 $0x320, s18;
	_ =	sdelay $0x1  }
0xc9: {  	s19 =	simm.s32 $0x8490;
	s20 =	sadd.s32 $0xFFFFFFFF, s20;
	s18 =	sshra.s32 s18, $0x2  }
0xca: {  	[tilespmem:s19], [sflag:$0x1] =	stream.indirect.gather [hbm4b:s3+s11], $0x20, s18, s11, $0xb8;
	[tilespmem:$0xC490] =	vst v63  }
.LBB2_27:
0xcb: {  	p0 =	sne.s32 s20, $0x1  }
.Ltmp23:
0xcc: {  	_ = 	snop;
	(pc) =	sbr.rel @p0 .LBB2_27-.Ltmp23, $4  }
0xcd: {  	_ = 	snop  }
0xce: {  	s18 =	sadd.s32 $0x40, s18;
	s19 =	sadd.s32 $0x800, s19  }
0xcf: {  	s20 =	sadd.s32 $0xFFFFFFFF, s20  }
0xd0: {  	[tilespmem:s19], [sflag:$0x1] =	stream.indirect.gather [hbm4b:s3+s11], $0x20, s18, s11, $0xb8;
	[tilespmem:$0xC490] =	vst v63  }
.LBB2_28:
0xd1: {  	v0 =	vld [tilespmem:s17+$0x6401];
	_ =	sdelay $0x4  }
0xd2: {  	(v2sf) =	vpush v0, $0x0;
	_ =	sdelay $0xe  }
0xd3: {  	s17 =	spop (v2sf)  }
0xd4: {  	s18 =	sadd.s32 $0x3F, s17  }
0xd5: {  	s19 =	sand.u32 $0x3F, s18  }
0xd6: {  	s31 =	sshra.s32 s18, $0x1F;
	p1 =	slt.s32 s18, $0x1;
	p0 =	sne.s32 s19, $0x0  }
0xd7: {  	s19 =	sshrl.u32 s31, $0x1A;
	p0 =	por !p1, !p0  }
0xd8: {  	s18 =	sadd.s32 s19, s18;
	s19 =	simm.s32 $0x1;
	p0 =	por !p0, !p0  }
0xd9: {  	s18 =	sshra.s32 s18, $0x6;
	s19 =	simm.s32 @!p0 $0x0  }
0xda: {  	s18 =	ssub.s32 s18, s19  }
0xdb: {  	p0 =	slt.s32 s18, $0x1  }
.Ltmp24:
0xdc: {  	_ = 	snop;
	(pc) =	sbr.rel @p0 .LBB2_32-.Ltmp24, $1  }
0xdd: {  	_ =	sdelay $0x3  }
0xde: {  	p0 =	sne.s32 s18, $0x1  }
.Ltmp25:
0xdf: {  	_ = 	snop;
	(pc) =	sbr.rel @!p0 .LBB2_31-.Ltmp25, $3  }
0xe0: {  	_ =	sdelay $0x1  }
0xe1: {  	_ =	swait.ge [sflag:s12], $0x800  }
0xe2: {  	s18 =	sadd.s32 $0xFFFFFFFF, s18;
	[sflag:s12] =	ssyncset.done $0x0  }
.LBB2_30:
0xe3: {  	p0 =	sne.s32 s18, $0x1;
	s18 =	sadd.s32 $0xFFFFFFFF, s18;
	[sflag:s12] =	ssyncadd.s32 $0xFFFFF800  }
.Ltmp26:
0xe4: {  	(pc) =	sbr.rel @p0 .LBB2_30-.Ltmp26, $3  }
0xe5: {  	_ =	sdelay $0x1  }
0xe6: {  	_ =	swait.ge [sflag:s12], $0x800  }
0xe7: {  	[sflag:s12] =	ssyncset.done $0x0  }
.LBB2_31:
0xe8: {  	[sflag:s12] =	ssyncadd.s32 $0xFFFFF800  }
.LBB2_32:
0xe9: {  	s18 =	sand.u32 $0x1, s17  }
0xea: {  	p0 =	slt.s32 s17, $0x1;
	p1 =	seq.s32 s18, $0x1  }
0xeb: {  	s31 =	sshrl.u32 s17, $0x1F;
	p0 =	por !p0, !p1  }
0xec: {  	s19 =	simm.s32 $0x1;
	s18 =	sadd.s32 s31, s17;
	p0 =	por !p0, !p0  }
0xed: {  	s18 =	sshra.s32 s18, $0x1;
	s19 =	simm.s32 @!p0 $0x0  }
0xee: {  	s18 =	ssub.s32 s18, s19  }
0xef: {  	s19 =	sshll.u32 s18, $0x1  }
0xf0: {  	p0 =	slt.s32 s19, $0x1  }
.Ltmp27:
0xf1: {  	_ = 	snop;
	(pc) =	sbr.rel @p0 .LBB2_33-.Ltmp27, $1  }
0xf2: {  	_ =	sdelay $0x3  }
0xf3: {  	s20 =	sand.u32 $0x7FFFFFFF, s18  }
0xf4: {  	s20 =	smax.u32 s20, $0x1  }
0xf5: {  	s20 =	ssub.s32 $0x0, s20  }
0xf6: {  	s21 =	simm.s32 $0xA4B0;
	s20 =	sadd.s32 $0x1, s20  }
0xf7: {  	v14 =	vld [tilespmem:s21+$0xFFFFFFF0];
	p1 =	seq.s32 s20, $0x0  }
.Ltmp28:
0xf8: {  	_ = 	snop;
	(pc) =	sbr.rel @p1 .LBB2_35-.Ltmp28, $4  }
0xf9: {  	_ = 	snop  }
0xfa: {  	v11 =	vld [tilespmem:s21+$0x10]  }
0xfb: {  	v12 =	vld [tilespmem:s21+$0x0]  }
0xfc: {  	v0 =	vimm.f32 $0.0e+00;
	p0 =	por $0x0, $0x0;
	v13 =	vld [tilespmem:s21+$0xFFFFFFE0];
	s21 =	simm.s32 $0xA4F0;
	v1 =	vshll.u32 v14, $0x10  }
0xfd: {  	s20 =	sadd.s32 $0x1, s20  }
0xfe: {  	v9 =	vld [tilespmem:s21+$0xFFFFFFF0];
	v2 =	vand.u32 $0xFFFF0000, v14;
	p1 =	seq.s32 s20, $0x0  }
.Ltmp29:
0xff: {  	v10 =	vimm.f32 $0.0e+00;
	v2 =	vadd.f32 v2, v0;
	v3 =	vshll.u32 v11, $0x10;
	(pc) =	sbr.rel @p1 .LBB2_37-.Ltmp29, $4  }
0x100: {  	v4 =	vand.u32 $0xFFFF0000, v11;
	v11 =	vld [tilespmem:s21+$0x10];
	v5 =	vshll.u32 v12, $0x10;
	v3 =	vadd.f32 v3, v0  }
0x101: {  	v4 =	vadd.f32 v4, v0;
	v7 =	vand.u32 $0xFFFF0000, v12;
	v12 =	vld [tilespmem:s21+$0x0];
	v6 =	vshll.u32 v13, $0x10  }
0x102: {  	v5 =	vadd.f32 v5, v0;
	v8 =	vand.u32 $0xFFFF0000, v13;
	v7 =	vadd.f32 v7, v0;
	v13 =	vld [tilespmem:s21+$0xFFFFFFE0]  }
0x103: {  	p0 =	por $0x1, $0x1;
	s21 =	simm.s32 $0xA530;
	v6 =	vadd.f32 v6, v0;
	v15 =	vshll.u32 v9, $0x10;
	v8 =	vadd.f32 v8, v0  }
.LBB2_38:
0x104: {  	s20 =	sadd.s32 $0x1, s20  }
0x105: {  	v19 =	vand.u32 $0xFFFF0000, v9;
	v9 =	vld [tilespmem:s21+$0xFFFFFFF0];
	v10 =	vadd.f32 v1, v10;
	v1 =	vmov v15;
	p1 =	seq.s32 s20, $0x0  }
.Ltmp30:
0x106: {  	v18 =	vshll.u32 v11, $0x10;
	v15 =	vand.u32 $0xFFFF0000, v11;
	v2 =	vadd.f32 v19, v2;
	v11 =	vld [tilespmem:s21+$0x10];
	v16 =	vmovc v12;
	(pc) =	sbr.rel @!p1 .LBB2_38-.Ltmp30, $4  }
0x107: {  	v3 =	vadd.f32 v18, v3;
	v4 =	vadd.f32 v15, v4;
	v12 =	vld [tilespmem:s21+$0x0];
	v17 =	vshll.u32 v16, $0x10;
	v14 =	vmovc v13  }
0x108: {  	v16 =	vand.u32 $0xFFFF0000, v16;
	v13 =	vld [tilespmem:s21+$0xFFFFFFE0];
	v15 =	vshll.u32 v14, $0x10;
	v5 =	vadd.f32 v17, v5  }
0x109: {  	v14 =	vand.u32 $0xFFFF0000, v14;
	v7 =	vadd.f32 v16, v7;
	v6 =	vadd.f32 v15, v6  }
0x10a: {  	s21 =	sadd.s32 $0x40, s21;
	v8 =	vadd.f32 v14, v8;
	v15 =	vshll.u32 v9, $0x10  }
0x10b: {  	v16 =	vmov v1;
	v14 =	vmov v9;
	v1 =	vmov v15  }
.LBB2_40:
0x10c: {  	v9 =	vand.u32 $0xFFFF0000, v14;
	v10 =	vadd.f32 @p0 v16, v10;
	v62 =	vshll.u32 v12, $0x10  }
.Ltmp31:
0x10d: {  	v2 =	vadd.f32 v9, v2;
	v9 =	vshll.u32 v11, $0x10;
	v11 =	vand.u32 $0xFFFF0000, v11;
	(pc) =	sbr.rel .LBB2_41-.Ltmp31, $4  }
0x10e: {  	v5 =	vadd.f32 v62, v5;
	v63 =	vand.u32 $0xFFFF0000, v13;
	v9 =	vadd.f32 v9, v3  }
0x10f: {  	v3 =	vadd.f32 v11, v4;
	v4 =	vshll.u32 v13, $0x10;
	v11 =	vand.u32 $0xFFFF0000, v12  }
0x110: {  	v4 =	vadd.f32 v4, v6;
	v6 =	vadd.f32 v11, v7;
	v7 =	vpsel p0, v10, v0  }
0x111: {  	v0 =	vadd.f32 v63, v8;
	v1 =	vadd.f32 v1, v7  }
.LBB2_33:
0x112: {  	v4 =	vimm.f32 $0.0e+00;
	v1 =	vimm.f32 $0.0e+00  }
0x113: {  	v0 =	vimm.f32 $0.0e+00;
	v2 =	vimm.f32 $0.0e+00;
	v5 =	vimm.f32 $0.0e+00  }
0x114: {  	v9 =	vimm.f32 $0.0e+00;
	v6 =	vimm.f32 $0.0e+00;
	v3 =	vimm.f32 $0.0e+00  }
.LBB2_41:
0x115: {  	s17 =	ssub.s32 s17, s19  }
0x116: {  	p0 =	slt.s32 s17, $0x1  }
.Ltmp32:
0x117: {  	_ = 	snop;
	(pc) =	sbr.rel @p0 .LBB2_45-.Ltmp32, $1  }
0x118: {  	_ =	sdelay $0x3  }
0x119: {  	s18 =	sshll.u32 s18, $0x8  }
0x11a: {  	s18 =	sshra.s32 s18, $0x2  }
0x11b: {  	s18 =	sadd.s32 $0xA4A0, s18  }
0x11c: {  	p0 =	sne.s32 s17, $0x1;
	v10 =	vld [tilespmem:s18+$0x0]  }
.Ltmp33:
0x11d: {  	v7 =	vld [tilespmem:s18+$0xFFFFFFF0];
	(pc) =	sbr.rel @!p0 .LBB2_44-.Ltmp33, $2  }
0x11e: {  	_ =	sdelay $0x2  }
0x11f: {  	s17 =	sadd.s32 $0xFFFFFFFF, s17;
	s18 =	sadd.s32 $0x20, s18;
	v8 =	vshll.u32 v10, $0x10;
	v10 =	vand.u32 $0xFFFF0000, v10  }
.LBB2_43:
0x120: {  	v11 =	vld [tilespmem:s18+$0x0];
	p0 =	sne.s32 s17, $0x1;
	s17 =	sadd.s32 $0xFFFFFFFF, s17;
	v12 =	vshll.u32 v7, $0x10;
	v13 =	vand.u32 $0xFFFF0000, v7;
	v2 =	vadd.f32 v10, v2  }
.Ltmp34:
0x121: {  	v1 =	vadd.f32 v8, v1;
	v7 =	vld [tilespmem:s18+$0xFFFFFFF0];
	v4 =	vadd.f32 v12, v4;
	(pc) =	sbr.rel @p0 .LBB2_43-.Ltmp34, $2  }
0x122: {  	v0 =	vadd.f32 v13, v0;
	_ =	sdelay $0x2  }
0x123: {  	s18 =	sadd.s32 $0x20, s18;
	v8 =	vshll.u32 v11, $0x10;
	v10 =	vand.u32 $0xFFFF0000, v11  }
.Ltmp35:
0x124: {  	_ = 	snop;
	(pc) =	sbr.rel .LBB2_44-.Ltmp35, $1  }
0x125: {  	_ =	sdelay $0x3  }
.LBB2_15:
.Ltmp36:
0x126: {  	(pc) =	sbr.rel .LBB2_20-.Ltmp36, $4  }
0x127: {  	_ = 	snop  }
0x128: {  	v10 =	vimm.f32 $0.0e+00;
	v2 =	vimm.f32 $0.0e+00  }
0x129: {  	v3 =	vimm.f32 $0.0e+00;
	v4 =	vimm.f32 $0.0e+00;
	v5 =	vimm.f32 $0.0e+00  }
0x12a: {  	v6 =	vimm.f32 $0.0e+00;
	v7 =	vimm.f32 $0.0e+00;
	v8 =	vimm.f32 $0.0e+00  }
.LBB2_35:
.Ltmp37:
0x12b: {  	(pc) =	sbr.rel .LBB2_40-.Ltmp37, $4  }
0x12c: {  	_ = 	snop  }
0x12d: {  	v10 =	vimm.f32 $0.0e+00;
	v2 =	vimm.f32 $0.0e+00  }
0x12e: {  	v3 =	vimm.f32 $0.0e+00;
	v4 =	vimm.f32 $0.0e+00;
	v5 =	vimm.f32 $0.0e+00  }
0x12f: {  	v6 =	vimm.f32 $0.0e+00;
	v7 =	vimm.f32 $0.0e+00;
	v8 =	vimm.f32 $0.0e+00  }
.LBB2_17:
.Ltmp38:
0x130: {  	(pc) =	sbr.rel .LBB2_20-.Ltmp38, $2  }
0x131: {  	_ =	sdelay $0x2  }
0x132: {  	v16 =	vmovc v1;
	v14 =	vmov v9;
	v10 =	vimm.f32 $0.0e+00;
	v1 =	vmov v15  }
.LBB2_37:
.Ltmp39:
0x133: {  	(pc) =	sbr.rel .LBB2_40-.Ltmp39, $2  }
0x134: {  	_ =	sdelay $0x2  }
0x135: {  	v16 =	vmovc v1;
	v14 =	vmov v9;
	v10 =	vimm.f32 $0.0e+00;
	v1 =	vmov v15  }
.LBB2_46:
0x136: {  	v0 =	vld [tilespmem:$0x6400];
	_ =	sdelay $0x4  }
0x137: {  	(v2sf) =	vpush v0, $0x0;
	_ =	sdelay $0xe  }
0x138: {  	s15 =	spop (v2sf)  }
0x139: {  	s15 =	sadd.s32 $0x3F, s15  }
0x13a: {  	s16 =	sand.u32 $0x3F, s15  }
0x13b: {  	s31 =	sshra.s32 s15, $0x1F;
	p1 =	slt.s32 s15, $0x1;
	p0 =	sne.s32 s16, $0x0  }
0x13c: {  	s16 =	sshrl.u32 s31, $0x1A;
	p0 =	por !p1, !p0  }
0x13d: {  	s15 =	sadd.s32 s16, s15;
	s16 =	simm.s32 $0x1;
	p0 =	por !p0, !p0  }
0x13e: {  	s15 =	sshra.s32 s15, $0x6;
	s16 =	simm.s32 @!p0 $0x0  }
0x13f: {  	s15 =	ssub.s32 s15, s16  }
0x140: {  	p0 =	slt.s32 s15, $0x1  }
.Ltmp40:
0x141: {  	_ = 	snop;
	(pc) =	sbr.rel @p0 .LBB2_50-.Ltmp40, $1  }
0x142: {  	_ =	sdelay $0x3  }
0x143: {  	p0 =	sne.s32 s15, $0x1  }
.Ltmp41:
0x144: {  	_ = 	snop;
	(pc) =	sbr.rel @!p0 .LBB2_49-.Ltmp41, $3  }
0x145: {  	_ =	sdelay $0x1  }
0x146: {  	_ =	swait.ge [sflag:s10], $0x800  }
0x147: {  	s15 =	sadd.s32 $0xFFFFFFFF, s15;
	[sflag:s10] =	ssyncset.done $0x0  }
.LBB2_48:
0x148: {  	p0 =	sne.s32 s15, $0x1;
	s15 =	sadd.s32 $0xFFFFFFFF, s15;
	[sflag:s10] =	ssyncadd.s32 $0xFFFFF800  }
.Ltmp42:
0x149: {  	(pc) =	sbr.rel @p0 .LBB2_48-.Ltmp42, $3  }
0x14a: {  	_ =	sdelay $0x1  }
0x14b: {  	_ =	swait.ge [sflag:s10], $0x800  }
0x14c: {  	[sflag:s10] =	ssyncset.done $0x0  }
.Ltmp43:
0x14d: {  	_ = 	snop;
	(pc) =	sbr.rel .LBB2_49-.Ltmp43, $1  }
0x14e: {  	_ =	sdelay $0x3  }
.LBB2_51:
0x14f: {  	_ =	sfence.sel $0x180000  }
0x150: {  	[bflag:$0x0] =	sbarrier.arrive $0xFFFF  }
0x151: {  	p0 =	sne.s32 s0, $0x0;
	_ =	strace $0x90000047  }
0x152: {  	s0 =	sadd.s32 @!p0 $0x100000, s1;
	[bflag:$0x2] =	sbarrier.arrive $0xFFFF  }
0x153: {  	[sflag:s0] =	ssyncadd.tile.s32 @!p0 $0x1;
	_ =	shalt  }
.Lfunc_end2:
_tile_overlayer_lowered:
.L_overlay_start_2:
0x154: {  	(tag) =	ssettag $0x2  }
0x155: {  	s0 =	rddreg [dreg:$0x0];
	s2 =	stileid.u32  }
0x156: {  	s1 =	rddreg [dreg:$0x1];
	p0 =	sne.s32 s2, $0x0  }
0x157: {  	s3 =	rddreg [dreg:$0x2];
	[bflag:$0x3] =	sbarrier.arrive $0xFFFF;
	s2 =	simm.s32 @!p0 $0x1C03  }
0x158: {  	[timem:s3], [sflag:s2] =	dma.local @!p0 [hbm:s0], s1  }
0x159: {  	s0 =	simm.s32 @!p0 $0x3  }
0x15a: {  	_ =	swait.ge @!p0 [sflag:s0], s1  }
0x15b: {  	s1 =	ssub.s32 @!p0 $0x0, s1;
	[sflag:s0] =	ssyncset.done @!p0 $0x0  }
0x15c: {  	[sflag:s0] =	ssyncadd.s32 @!p0 s1  }
0x15d: {  	[bflag:$0x3] =	sbarrier.arrive $0xFFFF  }
0x15e: {  	_ =	shalt  }

</sc_bundles>
